<compile_context>
chip_gen: v7x
topology: tpu7x:2x2x1
jax: 0.10.2.dev20260603
libtpu: 0.0.44.dev20260713+nightly
codegen_flags: <defaults>
</compile_context>

<pallas_src>
import jax
import jax.numpy as jnp
from jax import lax
from jax.experimental import pallas as pl
from jax.experimental.pallas import tpu as pltpu
from jax.experimental.pallas import tpu_sc as plsc

_V = 1000000
_D = 32
_NC = 2
_NS = 16
_NW = _NC * _NS
_C = 128
_NB = 4
_NF = 26
_BT_PER_W = 4
_NBLK = _NF * _BT_PER_W
_WCHUNK = _BT_PER_W * _C

_CW = 512
_NFULL = _V // _CW
_REM = _V - _NFULL * _CW


def _transpose_chunk(in_v, out_v, b, width):
    iota = lax.iota(jnp.int32, 16)
    dvecs = [iota + d0 for d0 in (0, 16)]
    zeros = jnp.zeros((16,), jnp.int32)

    @plsc.parallel_loop(0, width, unroll=8)
    def _(r):
        rv = zeros + r
        g = jnp.right_shift(r, 2)
        col = jnp.bitwise_and(r, 3) * _D
        for half, d0 in enumerate((0, 16)):
            v = plsc.load_gather(in_v.at[b], [dvecs[half], rv])
            out_v[b, g, pl.ds(col + d0, 16)] = v


def _relayout_body(tt_hbm, rem_hbm, out_hbm, in_v, out_v, isem, osem):
    wid = lax.axis_index("s") * _NC + lax.axis_index("c")

    def start_in(t, b):
        ci = wid + _NW * t
        pltpu.async_copy(
            tt_hbm.at[:, pl.ds(ci * _CW, _CW)], in_v.at[b], isem.at[b]
        )

    def wait_in(b):
        pltpu.make_async_copy(
            tt_hbm.at[:, pl.ds(0, _CW)], in_v.at[b], isem.at[b]
        ).wait()

    def start_out(t, b):
        ci = wid + _NW * t
        pltpu.async_copy(
            out_v.at[b], out_hbm.at[pl.ds(ci * (_CW // 4), _CW // 4)], osem.at[b]
        )

    def wait_out(b):
        pltpu.make_async_copy(
            out_hbm.at[pl.ds(0, _CW // 4)], out_v.at[b], osem.at[b]
        ).wait()

    nt = (_NFULL - wid + _NW - 1) // _NW

    @pl.when(nt > 0)
    def _():
        start_in(0, 0)

    @pl.when(nt > 1)
    def _():
        start_in(1, 1)

    def body(t, carry):
        b = jnp.bitwise_and(t, 1)
        wait_in(b)

        @pl.when(t >= 2)
        def _():
            wait_out(b)

        _transpose_chunk(in_v, out_v, b, _CW)
        start_out(t, b)

        @pl.when(t + 2 < nt)
        def _():
            start_in(t + 2, b)

        return carry

    lax.fori_loop(0, nt, body, 0)

    @pl.when(nt > 0)
    def _():
        wait_out(0)

    @pl.when(nt > 1)
    def _():
        wait_out(1)

    @pl.when(wid == 0)
    def _():
        pltpu.sync_copy(rem_hbm, out_v.at[0, pl.ds(0, _REM // 4)])
        pltpu.sync_copy(
            out_v.at[0, pl.ds(0, _REM // 4)],
            out_hbm.at[pl.ds((_V - _REM) // 4, _REM // 4)],
        )


def _transpose_block(rows, tbuf, b):
    iota = lax.iota(jnp.int32, 16)
    ridx = [iota + 16 * k for k in range(_C // 16)]
    zeros = jnp.zeros((16,), jnp.int32)

    @plsc.parallel_loop(0, _D, unroll=4)
    def _(d):
        ti = jnp.right_shift(d, 3)
        din = jnp.bitwise_and(d, 7)
        dv = zeros + d
        for k in range(_C // 16):
            v = plsc.load_gather(rows.at[b], [ridx[k], dv])
            tbuf[b, ti, din, pl.ds(16 * k, 16)] = v


def _emb_body(table_hbm, xt_hbm, out_hbm, idx_v, rows_v, tbuf_v, gsem, osem):
    wid = lax.axis_index("s") * _NC + lax.axis_index("c")
    pltpu.sync_copy(xt_hbm.at[:, pl.ds(wid * _WCHUNK, _WCHUNK)], idx_v)

    def start_gather(j, b):
        f = j // _BT_PER_W
        bt = j % _BT_PER_W
        pltpu.async_copy(
            table_hbm.at[idx_v.at[f, pl.ds(bt * _C, _C)]], rows_v.at[b], gsem.at[b]
        )

    def wait_gather(j, b):
        f = j // _BT_PER_W
        bt = j % _BT_PER_W
        pltpu.make_async_copy(
            table_hbm.at[idx_v.at[f, pl.ds(bt * _C, _C)]], rows_v.at[b], gsem.at[b]
        ).wait()

    def out_ref(j):
        f = j // _BT_PER_W
        bt = j % _BT_PER_W
        return out_hbm.at[f, :, wid * _BT_PER_W + bt]

    for b in range(_NB):
        start_gather(b, b)

    def body(j, carry):
        b = jnp.bitwise_and(j, _NB - 1)
        f = j // _BT_PER_W
        bt = j % _BT_PER_W
        wait_gather(j, b)

        @pl.when(j >= _NB)
        def _():
            pltpu.make_async_copy(out_ref(j), tbuf_v.at[b], osem.at[b]).wait()

        _transpose_block(rows_v, tbuf_v, b)
        pltpu.async_copy(tbuf_v.at[b], out_ref(j), osem.at[b])

        @pl.when(j + _NB < _NBLK)
        def _():
            start_gather(j + _NB, b)

        return carry

    lax.fori_loop(0, _NBLK, body, 0)

    def drain(b, carry):
        pltpu.make_async_copy(out_ref(0), tbuf_v.at[b], osem.at[b]).wait()
        return carry

    lax.fori_loop(0, _NB, drain, 0)


def kernel(x, embedding_weight):
    b0, b1 = x.shape
    xt = jnp.transpose(x.astype(jnp.int32))
    tt = jnp.transpose(embedding_weight)
    rem128 = embedding_weight[_V - _REM:].reshape(_REM // 4, 4 * _D)
    mesh = plsc.VectorSubcoreMesh(core_axis_name="c", subcore_axis_name="s")
    params = pltpu.CompilerParams(use_tc_tiling_on_sc=True, needs_layout_passes=False)

    relayout = pl.kernel(
        _relayout_body,
        mesh=mesh,
        out_type=jax.ShapeDtypeStruct((_V // 4, 4 * _D), jnp.float32),
        scratch_types=[
            pltpu.VMEM((2, _D, _CW), jnp.float32),
            pltpu.VMEM((2, _CW // 4, 4 * _D), jnp.float32),
            pltpu.SemaphoreType.DMA((2,)),
            pltpu.SemaphoreType.DMA((2,)),
        ],
        compiler_params=params,
    )
    t1m = relayout(tt, rem128).reshape(_V, _D)

    gather = pl.kernel(
        _emb_body,
        mesh=mesh,
        out_type=jax.ShapeDtypeStruct((_NF, _D // 8, b0 // _C, 8, _C), jnp.float32),
        scratch_types=[
            pltpu.VMEM((_NF, _WCHUNK), jnp.int32),
            pltpu.VMEM((_NB, _C, _D), jnp.float32),
            pltpu.VMEM((_NB, _D // 8, 8, _C), jnp.float32),
            pltpu.SemaphoreType.DMA((_NB,)),
            pltpu.SemaphoreType.DMA((_NB,)),
        ],
        compiler_params=pltpu.CompilerParams(
            use_tc_tiling_on_sc=False, needs_layout_passes=False
        ),
    )
    out5d = gather(t1m, xt)
    return out5d.transpose(2, 4, 0, 1, 3).reshape(b0, b1, _D)

# --- scband reference (transcript-rebuilt; emitter-appended) ---
"""Pipeline reference for scband-embedding-29824252903563 (READ-ONLY COPY).

The authoritative reference and input builder live on the scoring server;
editing this copy changes nothing except your own understanding.
"""

import jax, jax.numpy as jnp
import numpy as np

VOCAB = 1000000
EMBED_DIM = 32
BATCH = 16384
N_FIELDS = 26


def setup_inputs(seed: int = 0) -> dict:
    key = jax.random.key(seed)
    k_idx, k_tab = jax.random.split(key)
    x = jax.random.randint(k_idx, (BATCH, N_FIELDS), 0, VOCAB, dtype=jnp.int64 if jax.config.jax_enable_x64 else jnp.int32)
    # truncated-normal-like init with stddev 0.02
    embedding_weight = jax.random.truncated_normal(k_tab, -2.0, 2.0, (VOCAB, EMBED_DIM), dtype=jnp.float32) * 0.02
    return {"x": x, "embedding_weight": embedding_weight}


def reference(x, embedding_weight):
    # tf.nn.embedding_lookup == gather along axis 0
    return jnp.take(embedding_weight, x, axis=0)

if __name__ == "__main__":
    import jax
    _d = setup_inputs()
    print(jax.jit(kernel)(*tuple(_d.values())))

</pallas_src>

<mosaic_0001>
#map = affine_map<(d0, d1) -> (0, 0)>
module attributes {stable_mosaic.version = 14 : i64} {
  func.func @_relayout_body(%arg0: i32, %arg1: i32, %arg2: memref<32x1000000xf32, #tpu.memory_space<hbm>>, %arg3: memref<16x128xf32, #tpu.memory_space<hbm>>, %arg4: memref<250000x128xf32, #tpu.memory_space<hbm>>, %arg5: memref<2x32x512xf32, #tpu.memory_space<vmem>>, %arg6: memref<2x128x128xf32, #tpu.memory_space<vmem>>, %arg7: memref<2x!tpu.dma_semaphore, #tpu.memory_space<semaphore_mem>>, %arg8: memref<2x!tpu.dma_semaphore, #tpu.memory_space<semaphore_mem>>) attributes {dimension_semantics = [#tpu.dimension_semantics<core_parallel>, #tpu.dimension_semantics<subcore_parallel>], iteration_bounds = array<i64: 2, 16>, scalar_prefetch = 0 : i64, scratch_operands = 4 : i64, tpu.core_type = #tpu.core_type<sc_vector_subcore>, window_params = [{transform_indices = #map}, {transform_indices = #map}, {transform_indices = #map}]} {
    %mul3A = arith.constant 2 : i32
    %mul3A_0 = arith.muli %arg1, %mul3A : i32
    %add3A = arith.addi %mul3A_0, %arg0 : i32
    %sub3A = arith.constant 1953 : i32
    %sub3A_1 = arith.subi %sub3A, %add3A : i32
    %add3A_2 = arith.constant 32 : i32
    %add3A_3 = arith.addi %sub3A_1, %add3A_2 : i32
    %sub3A_4 = arith.constant 1 : i32
    %sub3A_5 = arith.subi %add3A_3, %sub3A_4 : i32
    %jit3A = arith.constant 32 : i32
    %div3A = arith.divsi %sub3A_5, %jit3A : i32
    %sign3A = arith.constant 0 : i32
    %sign3A_6 = arith.cmpi sgt, %sub3A_5, %sign3A : i32
    %sign3A_7 = arith.extui %sign3A_6 : i1 to i32
    %sign3A_8 = arith.constant 0 : i32
    %sign3A_9 = arith.cmpi slt, %sub3A_5, %sign3A_8 : i32
    %sign3A_10 = arith.extui %sign3A_9 : i1 to i32
    %sign3A_11 = arith.subi %sign3A_7, %sign3A_10 : i32
    %sign3A_12 = arith.constant 0 : i32
    %sign3A_13 = arith.cmpi sgt, %jit3A, %sign3A_12 : i32
    %sign3A_14 = arith.extui %sign3A_13 : i1 to i32
    %sign3A_15 = arith.constant 0 : i32
    %sign3A_16 = arith.cmpi slt, %jit3A, %sign3A_15 : i32
    %sign3A_17 = arith.extui %sign3A_16 : i1 to i32
    %sign3A_18 = arith.subi %sign3A_14, %sign3A_17 : i32
    %ne3A = arith.cmpi ne, %sign3A_11, %sign3A_18 : i32
    %rem3A = arith.remsi %sub3A_5, %jit3A : i32
    %ne3A_19 = arith.constant 0 : i32
    %ne3A_20 = arith.cmpi ne, %rem3A, %ne3A_19 : i32
    %and3A = arith.andi %ne3A, %ne3A_20 : i1
    %sub3A_21 = arith.constant 1 : i32
    %sub3A_22 = arith.subi %div3A, %sub3A_21 : i32
    %select_n3A = arith.select %and3A, %sub3A_22, %div3A : i32
    %gt3A = arith.constant 0 : i32
    %gt3A_23 = arith.cmpi sgt, %select_n3A, %gt3A : i32
    %convert_element_type3A = arith.extui %gt3A_23 : i1 to i32
    %cond3A = arith.constant 0 : i32
    %cond3A_24 = arith.cmpi ne, %convert_element_type3A, %cond3A : i32
    scf.if %cond3A_24 {
      %add3A_53 = arith.constant 0 : i32
      %add3A_54 = arith.addi %add3A, %add3A_53 : i32
      %mul3A_55 = arith.constant 512 : i32
      %mul3A_56 = arith.muli %add3A_54, %mul3A_55 : i32
      %dma_start3A = arith.constant 0 : i32
      %dma_start3A_57 = arith.constant 0 : i32
      %dma_start3A_58 = arith.constant 0 : i32
      %dma_start3A_59 = arith.constant 0 : i32
      %dma_start3A_60 = tpu.memref_slice %arg5[%dma_start3A, %dma_start3A_58, %dma_start3A_59] : memref<2x32x512xf32, #tpu.memory_space<vmem>> -> memref<1x32x512xf32, #tpu.memory_space<vmem>>
      %dma_start3A_61 = tpu.memref_squeeze %dma_start3A_60 : memref<1x32x512xf32, #tpu.memory_space<vmem>> -> memref<32x512xf32, #tpu.memory_space<vmem>>
      %dma_start3A_62 = arith.constant 0 : i32
      %dma_start3A_63 = tpu.memref_slice %arg2[%dma_start3A_62, %mul3A_56] : memref<32x1000000xf32, #tpu.memory_space<hbm>> -> memref<32x512xf32, #tpu.memory_space<hbm>>
      %dma_start3A_64 = tpu.memref_slice %arg7[%dma_start3A_57] : memref<2x!tpu.dma_semaphore, #tpu.memory_space<semaphore_mem>> -> memref<1x!tpu.dma_semaphore, #tpu.memory_space<semaphore_mem>>
      %dma_start3A_65 = tpu.memref_squeeze %dma_start3A_64 : memref<1x!tpu.dma_semaphore, #tpu.memory_space<semaphore_mem>> -> memref<!tpu.dma_semaphore, #tpu.memory_space<semaphore_mem>>
      %dma_start3A_66 = arith.constant 0 : i32
      %dma_start3A_67 = arith.constant 0 : i32
      %dma_start3A_68 = tpu.memref_slice %arg5[%dma_start3A, %dma_start3A_66, %dma_start3A_67] : memref<2x32x512xf32, #tpu.memory_space<vmem>> -> memref<1x32x512xf32, #tpu.memory_space<vmem>>
      %dma_start3A_69 = tpu.memref_squeeze %dma_start3A_68 : memref<1x32x512xf32, #tpu.memory_space<vmem>> -> memref<32x512xf32, #tpu.memory_space<vmem>>
      %dma_start3A_70 = arith.constant 0 : i32
      %dma_start3A_71 = tpu.memref_slice %arg2[%dma_start3A_70, %mul3A_56] : memref<32x1000000xf32, #tpu.memory_space<hbm>> -> memref<32x512xf32, #tpu.memory_space<hbm>>
      tpu.enqueue_dma source(%dma_start3A_71 : memref<32x512xf32, #tpu.memory_space<hbm>>) target(%dma_start3A_69 : memref<32x512xf32, #tpu.memory_space<vmem>>) target_semaphore(%dma_start3A_65 : memref<!tpu.dma_semaphore, #tpu.memory_space<semaphore_mem>>)
    } else {
    }
    %gt3A_25 = arith.constant 1 : i32
    %gt3A_26 = arith.cmpi sgt, %select_n3A, %gt3A_25 : i32
    %convert_element_type3A_27 = arith.extui %gt3A_26 : i1 to i32
    %cond3A_28 = arith.constant 0 : i32
    %cond3A_29 = arith.cmpi ne, %convert_element_type3A_27, %cond3A_28 : i32
    scf.if %cond3A_29 {
      %add3A_53 = arith.constant 32 : i32
      %add3A_54 = arith.addi %add3A, %add3A_53 : i32
      %mul3A_55 = arith.constant 512 : i32
      %mul3A_56 = arith.muli %add3A_54, %mul3A_55 : i32
      %dma_start3A = arith.constant 1 : i32
      %dma_start3A_57 = arith.constant 1 : i32
      %dma_start3A_58 = arith.constant 0 : i32
      %dma_start3A_59 = arith.constant 0 : i32
      %dma_start3A_60 = tpu.memref_slice %arg5[%dma_start3A, %dma_start3A_58, %dma_start3A_59] : memref<2x32x512xf32, #tpu.memory_space<vmem>> -> memref<1x32x512xf32, #tpu.memory_space<vmem>>
      %dma_start3A_61 = tpu.memref_squeeze %dma_start3A_60 : memref<1x32x512xf32, #tpu.memory_space<vmem>> -> memref<32x512xf32, #tpu.memory_space<vmem>>
      %dma_start3A_62 = arith.constant 0 : i32
      %dma_start3A_63 = tpu.memref_slice %arg2[%dma_start3A_62, %mul3A_56] : memref<32x1000000xf32, #tpu.memory_space<hbm>> -> memref<32x512xf32, #tpu.memory_space<hbm>>
      %dma_start3A_64 = tpu.memref_slice %arg7[%dma_start3A_57] : memref<2x!tpu.dma_semaphore, #tpu.memory_space<semaphore_mem>> -> memref<1x!tpu.dma_semaphore, #tpu.memory_space<semaphore_mem>>
      %dma_start3A_65 = tpu.memref_squeeze %dma_start3A_64 : memref<1x!tpu.dma_semaphore, #tpu.memory_space<semaphore_mem>> -> memref<!tpu.dma_semaphore, #tpu.memory_space<semaphore_mem>>
      %dma_start3A_66 = arith.constant 0 : i32
      %dma_start3A_67 = arith.constant 0 : i32
      %dma_start3A_68 = tpu.memref_slice %arg5[%dma_start3A, %dma_start3A_66, %dma_start3A_67] : memref<2x32x512xf32, #tpu.memory_space<vmem>> -> memref<1x32x512xf32, #tpu.memory_space<vmem>>
      %dma_start3A_69 = tpu.memref_squeeze %dma_start3A_68 : memref<1x32x512xf32, #tpu.memory_space<vmem>> -> memref<32x512xf32, #tpu.memory_space<vmem>>
      %dma_start3A_70 = arith.constant 0 : i32
      %dma_start3A_71 = tpu.memref_slice %arg2[%dma_start3A_70, %mul3A_56] : memref<32x1000000xf32, #tpu.memory_space<hbm>> -> memref<32x512xf32, #tpu.memory_space<hbm>>
      tpu.enqueue_dma source(%dma_start3A_71 : memref<32x512xf32, #tpu.memory_space<hbm>>) target(%dma_start3A_69 : memref<32x512xf32, #tpu.memory_space<vmem>>) target_semaphore(%dma_start3A_65 : memref<!tpu.dma_semaphore, #tpu.memory_space<semaphore_mem>>)
    } else {
    }
    %while3A = arith.constant 0 : i32
    %while3A_30 = arith.constant 0 : i32
    %while3A_31 = arith.subi %select_n3A, %while3A_30 : i32
    %while3A_32 = arith.addi %while3A_30, %while3A_31 : i32
    %while3A_33 = arith.constant 1 : i32
    %while3A_34 = arith.divsi %while3A_31, %while3A_33 : i32
    %while3A_35 = arith.muli %while3A_34, %while3A_33 : i32
    %while3A_36 = arith.addi %while3A_30, %while3A_35 : i32
    %while3A_37 = arith.constant 1 : i32
    scf.for %while3A_53 = %while3A_30 to %while3A_36 step %while3A_37  : i32 {
      %and3A_54 = arith.constant 1 : i32
      %and3A_55 = arith.andi %while3A_53, %and3A_54 : i32
      %dma_wait3A = arith.constant 0 : i32
      %dma_wait3A_56 = arith.constant 0 : i32
      %dma_wait3A_57 = tpu.memref_slice %arg5[%and3A_55, %dma_wait3A, %dma_wait3A_56] : memref<2x32x512xf32, #tpu.memory_space<vmem>> -> memref<1x32x512xf32, #tpu.memory_space<vmem>>
      %dma_wait3A_58 = tpu.memref_squeeze %dma_wait3A_57 : memref<1x32x512xf32, #tpu.memory_space<vmem>> -> memref<32x512xf32, #tpu.memory_space<vmem>>
      %dma_wait3A_59 = arith.constant 0 : i32
      %dma_wait3A_60 = arith.constant 0 : i32
      %dma_wait3A_61 = tpu.memref_slice %arg2[%dma_wait3A_59, %dma_wait3A_60] : memref<32x1000000xf32, #tpu.memory_space<hbm>> -> memref<32x512xf32, #tpu.memory_space<hbm>>
      %dma_wait3A_62 = tpu.memref_slice %arg7[%and3A_55] : memref<2x!tpu.dma_semaphore, #tpu.memory_space<semaphore_mem>> -> memref<1x!tpu.dma_semaphore, #tpu.memory_space<semaphore_mem>>
      %dma_wait3A_63 = tpu.memref_squeeze %dma_wait3A_62 : memref<1x!tpu.dma_semaphore, #tpu.memory_space<semaphore_mem>> -> memref<!tpu.dma_semaphore, #tpu.memory_space<semaphore_mem>>
      %dma_wait3A_64 = arith.constant 0 : i32
      %dma_wait3A_65 = arith.constant 0 : i32
      %dma_wait3A_66 = tpu.memref_slice %arg5[%and3A_55, %dma_wait3A_64, %dma_wait3A_65] : memref<2x32x512xf32, #tpu.memory_space<vmem>> -> memref<1x32x512xf32, #tpu.memory_space<vmem>>
      %dma_wait3A_67 = tpu.memref_squeeze %dma_wait3A_66 : memref<1x32x512xf32, #tpu.memory_space<vmem>> -> memref<32x512xf32, #tpu.memory_space<vmem>>
      %dma_wait3A_68 = arith.constant 0 : i32
      %dma_wait3A_69 = arith.constant 0 : i32
      %dma_wait3A_70 = tpu.memref_slice %arg2[%dma_wait3A_68, %dma_wait3A_69] : memref<32x1000000xf32, #tpu.memory_space<hbm>> -> memref<32x512xf32, #tpu.memory_space<hbm>>
      tpu.wait_dma2 semaphore(%dma_wait3A_63 : memref<!tpu.dma_semaphore, #tpu.memory_space<semaphore_mem>>) src(%dma_wait3A_70 : memref<32x512xf32, #tpu.memory_space<hbm>>) dst(%dma_wait3A_67 : memref<32x512xf32, #tpu.memory_space<vmem>>)
      %ge3A = arith.constant 2 : i32
      %ge3A_71 = arith.cmpi sge, %while3A_53, %ge3A : i32
      %convert_element_type3A_72 = arith.extui %ge3A_71 : i1 to i32
      %cond3A_73 = arith.constant 0 : i32
      %cond3A_74 = arith.cmpi ne, %convert_element_type3A_72, %cond3A_73 : i32
      scf.if %cond3A_74 {
        %dma_wait3A_107 = arith.constant 0 : i32
        %dma_wait3A_108 = arith.constant 0 : i32
        %dma_wait3A_109 = tpu.memref_slice %arg6[%and3A_55, %dma_wait3A_107, %dma_wait3A_108] : memref<2x128x128xf32, #tpu.memory_space<vmem>> -> memref<1x128x128xf32, #tpu.memory_space<vmem>>
        %dma_wait3A_110 = tpu.memref_squeeze %dma_wait3A_109 : memref<1x128x128xf32, #tpu.memory_space<vmem>> -> memref<128x128xf32, #tpu.memory_space<vmem>>
        %dma_wait3A_111 = arith.constant 0 : i32
        %dma_wait3A_112 = arith.constant 0 : i32
        %dma_wait3A_113 = tpu.memref_slice %arg4[%dma_wait3A_111, %dma_wait3A_112] : memref<250000x128xf32, #tpu.memory_space<hbm>> -> memref<128x128xf32, #tpu.memory_space<hbm>>
        %dma_wait3A_114 = tpu.memref_slice %arg8[%and3A_55] : memref<2x!tpu.dma_semaphore, #tpu.memory_space<semaphore_mem>> -> memref<1x!tpu.dma_semaphore, #tpu.memory_space<semaphore_mem>>
        %dma_wait3A_115 = tpu.memref_squeeze %dma_wait3A_114 : memref<1x!tpu.dma_semaphore, #tpu.memory_space<semaphore_mem>> -> memref<!tpu.dma_semaphore, #tpu.memory_space<semaphore_mem>>
        %dma_wait3A_116 = arith.constant 0 : i32
        %dma_wait3A_117 = arith.constant 0 : i32
        %dma_wait3A_118 = tpu.memref_slice %arg6[%and3A_55, %dma_wait3A_116, %dma_wait3A_117] : memref<2x128x128xf32, #tpu.memory_space<vmem>> -> memref<1x128x128xf32, #tpu.memory_space<vmem>>
        %dma_wait3A_119 = tpu.memref_squeeze %dma_wait3A_118 : memref<1x128x128xf32, #tpu.memory_space<vmem>> -> memref<128x128xf32, #tpu.memory_space<vmem>>
        %dma_wait3A_120 = arith.constant 0 : i32
        %dma_wait3A_121 = arith.constant 0 : i32
        %dma_wait3A_122 = tpu.memref_slice %arg4[%dma_wait3A_120, %dma_wait3A_121] : memref<250000x128xf32, #tpu.memory_space<hbm>> -> memref<128x128xf32, #tpu.memory_space<hbm>>
        tpu.wait_dma2 semaphore(%dma_wait3A_115 : memref<!tpu.dma_semaphore, #tpu.memory_space<semaphore_mem>>) src(%dma_wait3A_122 : memref<128x128xf32, #tpu.memory_space<hbm>>) dst(%dma_wait3A_119 : memref<128x128xf32, #tpu.memory_space<vmem>>)
      } else {
      }
      %iota3A = tpu.iota {dimensions = array<i32: 0>} : vector<16xi32>
      %add3A_75 = arith.constant 0 : i32
      %add3A_76 = vector.broadcast %add3A_75 : i32 to vector<16xi32>
      %add3A_77 = arith.addi %iota3A, %add3A_76 : vector<16xi32>
      %add3A_78 = arith.constant 16 : i32
      %add3A_79 = vector.broadcast %add3A_78 : i32 to vector<16xi32>
      %add3A_80 = arith.addi %iota3A, %add3A_79 : vector<16xi32>
      %broadcast_in_dim3A = arith.constant 0 : i32
      %broadcast_in_dim3A_81 = vector.broadcast %broadcast_in_dim3A : i32 to vector<16xi32>
      %parallel_loop3A = arith.constant 0 : i32
      %parallel_loop3A_82 = arith.constant 512 : i32
      %parallel_loop3A_83 = arith.constant 1 : i32
      scf.for %parallel_loop3A_107 = %parallel_loop3A to %parallel_loop3A_82 step %parallel_loop3A_83  : i32 {
        %parallel_loop3A_108 = vector.broadcast %parallel_loop3A_107 : i32 to vector<16xi32>
        %parallel_loop3A_109 = arith.addi %broadcast_in_dim3A_81, %parallel_loop3A_108 : vector<16xi32>
        %parallel_loop3A_110 = arith.constant 2 : i32
        %parallel_loop3A_111 = arith.shrsi %parallel_loop3A_107, %parallel_loop3A_110 : i32
        %parallel_loop3A_112 = arith.constant 3 : i32
        %parallel_loop3A_113 = arith.andi %parallel_loop3A_107, %parallel_loop3A_112 : i32
        %parallel_loop3A_114 = arith.constant 32 : i32
        %parallel_loop3A_115 = arith.muli %parallel_loop3A_113, %parallel_loop3A_114 : i32
        %parallel_loop3A_116 = arith.constant 0 : i32
        %parallel_loop3A_117 = arith.constant 0 : i32
        %parallel_loop3A_118 = tpu.memref_slice %arg5[%and3A_55, %parallel_loop3A_116, %parallel_loop3A_117] : memref<2x32x512xf32, #tpu.memory_space<vmem>> -> memref<1x32x512xf32, #tpu.memory_space<vmem>>
        %parallel_loop3A_119 = tpu.memref_squeeze %parallel_loop3A_118 : memref<1x32x512xf32, #tpu.memory_space<vmem>> -> memref<32x512xf32, #tpu.memory_space<vmem>>
        %parallel_loop3A_120 = tpu.vector_load_idx %parallel_loop3A_119[%add3A_77, %parallel_loop3A_109] : memref<32x512xf32, #tpu.memory_space<vmem>>[vector<16xi32>, vector<16xi32>], vector<16xf32>,
        %parallel_loop3A_121 = arith.constant 0 : i32
        %parallel_loop3A_122 = arith.addi %parallel_loop3A_115, %parallel_loop3A_121 : i32
        %parallel_loop3A_123 = arith.index_cast %and3A_55 : i32 to index
        %parallel_loop3A_124 = arith.index_cast %parallel_loop3A_111 : i32 to index
        %parallel_loop3A_125 = arith.index_cast %parallel_loop3A_122 : i32 to index
        %parallel_loop3A_126 = tpu.vector_load %arg6[%parallel_loop3A_123, %parallel_loop3A_124, %parallel_loop3A_125] {strides = array<i32>} : memref<2x128x128xf32, #tpu.memory_space<vmem>>, vector<16xf32>,
        tpu.vector_store %arg6[%parallel_loop3A_123, %parallel_loop3A_124, %parallel_loop3A_125], %parallel_loop3A_120 {strides = array<i32>} : memref<2x128x128xf32, #tpu.memory_space<vmem>>, vector<16xf32>,
        %parallel_loop3A_127 = arith.constant 0 : i32
        %parallel_loop3A_128 = arith.constant 0 : i32
        %parallel_loop3A_129 = tpu.memref_slice %arg5[%and3A_55, %parallel_loop3A_127, %parallel_loop3A_128] : memref<2x32x512xf32, #tpu.memory_space<vmem>> -> memref<1x32x512xf32, #tpu.memory_space<vmem>>
        %parallel_loop3A_130 = tpu.memref_squeeze %parallel_loop3A_129 : memref<1x32x512xf32, #tpu.memory_space<vmem>> -> memref<32x512xf32, #tpu.memory_space<vmem>>
        %parallel_loop3A_131 = tpu.vector_load_idx %parallel_loop3A_130[%add3A_80, %parallel_loop3A_109] : memref<32x512xf32, #tpu.memory_space<vmem>>[vector<16xi32>, vector<16xi32>], vector<16xf32>,
        %parallel_loop3A_132 = arith.constant 16 : i32
        %parallel_loop3A_133 = arith.addi %parallel_loop3A_115, %parallel_loop3A_132 : i32
        %parallel_loop3A_134 = arith.index_cast %and3A_55 : i32 to index
        %parallel_loop3A_135 = arith.index_cast %parallel_loop3A_111 : i32 to index
        %parallel_loop3A_136 = arith.index_cast %parallel_loop3A_133 : i32 to index
        %parallel_loop3A_137 = tpu.vector_load %arg6[%parallel_loop3A_134, %parallel_loop3A_135, %parallel_loop3A_136] {strides = array<i32>} : memref<2x128x128xf32, #tpu.memory_space<vmem>>, vector<16xf32>,
        tpu.vector_store %arg6[%parallel_loop3A_134, %parallel_loop3A_135, %parallel_loop3A_136], %parallel_loop3A_131 {strides = array<i32>} : memref<2x128x128xf32, #tpu.memory_space<vmem>>, vector<16xf32>,
      } {sc.loop_unroll_factor = 8 : i64, sc.parallel_access}
      %mul3A_84 = arith.constant 32 : i32
      %mul3A_85 = arith.muli %mul3A_84, %while3A_53 : i32
      %add3A_86 = arith.addi %add3A, %mul3A_85 : i32
      %mul3A_87 = arith.constant 128 : i32
      %mul3A_88 = arith.muli %add3A_86, %mul3A_87 : i32
      %dma_start3A = arith.constant 0 : i32
      %dma_start3A_89 = arith.constant 0 : i32
      %dma_start3A_90 = tpu.memref_slice %arg6[%and3A_55, %dma_start3A, %dma_start3A_89] : memref<2x128x128xf32, #tpu.memory_space<vmem>> -> memref<1x128x128xf32, #tpu.memory_space<vmem>>
      %dma_start3A_91 = tpu.memref_squeeze %dma_start3A_90 : memref<1x128x128xf32, #tpu.memory_space<vmem>> -> memref<128x128xf32, #tpu.memory_space<vmem>>
      %dma_start3A_92 = arith.constant 0 : i32
      %dma_start3A_93 = tpu.memref_slice %arg4[%mul3A_88, %dma_start3A_92] : memref<250000x128xf32, #tpu.memory_space<hbm>> -> memref<128x128xf32, #tpu.memory_space<hbm>>
      %dma_start3A_94 = tpu.memref_slice %arg8[%and3A_55] : memref<2x!tpu.dma_semaphore, #tpu.memory_space<semaphore_mem>> -> memref<1x!tpu.dma_semaphore, #tpu.memory_space<semaphore_mem>>
      %dma_start3A_95 = tpu.memref_squeeze %dma_start3A_94 : memref<1x!tpu.dma_semaphore, #tpu.memory_space<semaphore_mem>> -> memref<!tpu.dma_semaphore, #tpu.memory_space<semaphore_mem>>
      %dma_start3A_96 = arith.constant 0 : i32
      %dma_start3A_97 = tpu.memref_slice %arg4[%mul3A_88, %dma_start3A_96] : memref<250000x128xf32, #tpu.memory_space<hbm>> -> memref<128x128xf32, #tpu.memory_space<hbm>>
      %dma_start3A_98 = arith.constant 0 : i32
      %dma_start3A_99 = arith.constant 0 : i32
      %dma_start3A_100 = tpu.memref_slice %arg6[%and3A_55, %dma_start3A_98, %dma_start3A_99] : memref<2x128x128xf32, #tpu.memory_space<vmem>> -> memref<1x128x128xf32, #tpu.memory_space<vmem>>
      %dma_start3A_101 = tpu.memref_squeeze %dma_start3A_100 : memref<1x128x128xf32, #tpu.memory_space<vmem>> -> memref<128x128xf32, #tpu.memory_space<vmem>>
      tpu.enqueue_dma source(%dma_start3A_101 : memref<128x128xf32, #tpu.memory_space<vmem>>) target(%dma_start3A_97 : memref<128x128xf32, #tpu.memory_space<hbm>>) target_semaphore(%dma_start3A_95 : memref<!tpu.dma_semaphore, #tpu.memory_space<semaphore_mem>>)
      %add3A_102 = arith.constant 2 : i32
      %add3A_103 = arith.addi %while3A_53, %add3A_102 : i32
      %lt3A = arith.cmpi slt, %add3A_103, %select_n3A : i32
      %convert_element_type3A_104 = arith.extui %lt3A : i1 to i32
      %cond3A_105 = arith.constant 0 : i32
      %cond3A_106 = arith.cmpi ne, %convert_element_type3A_104, %cond3A_105 : i32
      scf.if %cond3A_106 {
        %add3A_107 = arith.constant 2 : i32
        %add3A_108 = arith.addi %while3A_53, %add3A_107 : i32
        %mul3A_109 = arith.constant 32 : i32
        %mul3A_110 = arith.muli %mul3A_109, %add3A_108 : i32
        %add3A_111 = arith.addi %add3A, %mul3A_110 : i32
        %mul3A_112 = arith.constant 512 : i32
        %mul3A_113 = arith.muli %add3A_111, %mul3A_112 : i32
        %dma_start3A_114 = arith.constant 0 : i32
        %dma_start3A_115 = arith.constant 0 : i32
        %dma_start3A_116 = tpu.memref_slice %arg5[%and3A_55, %dma_start3A_114, %dma_start3A_115] : memref<2x32x512xf32, #tpu.memory_space<vmem>> -> memref<1x32x512xf32, #tpu.memory_space<vmem>>
        %dma_start3A_117 = tpu.memref_squeeze %dma_start3A_116 : memref<1x32x512xf32, #tpu.memory_space<vmem>> -> memref<32x512xf32, #tpu.memory_space<vmem>>
        %dma_start3A_118 = arith.constant 0 : i32
        %dma_start3A_119 = tpu.memref_slice %arg2[%dma_start3A_118, %mul3A_113] : memref<32x1000000xf32, #tpu.memory_space<hbm>> -> memref<32x512xf32, #tpu.memory_space<hbm>>
        %dma_start3A_120 = tpu.memref_slice %arg7[%and3A_55] : memref<2x!tpu.dma_semaphore, #tpu.memory_space<semaphore_mem>> -> memref<1x!tpu.dma_semaphore, #tpu.memory_space<semaphore_mem>>
        %dma_start3A_121 = tpu.memref_squeeze %dma_start3A_120 : memref<1x!tpu.dma_semaphore, #tpu.memory_space<semaphore_mem>> -> memref<!tpu.dma_semaphore, #tpu.memory_space<semaphore_mem>>
        %dma_start3A_122 = arith.constant 0 : i32
        %dma_start3A_123 = arith.constant 0 : i32
        %dma_start3A_124 = tpu.memref_slice %arg5[%and3A_55, %dma_start3A_122, %dma_start3A_123] : memref<2x32x512xf32, #tpu.memory_space<vmem>> -> memref<1x32x512xf32, #tpu.memory_space<vmem>>
        %dma_start3A_125 = tpu.memref_squeeze %dma_start3A_124 : memref<1x32x512xf32, #tpu.memory_space<vmem>> -> memref<32x512xf32, #tpu.memory_space<vmem>>
        %dma_start3A_126 = arith.constant 0 : i32
        %dma_start3A_127 = tpu.memref_slice %arg2[%dma_start3A_126, %mul3A_113] : memref<32x1000000xf32, #tpu.memory_space<hbm>> -> memref<32x512xf32, #tpu.memory_space<hbm>>
        tpu.enqueue_dma source(%dma_start3A_127 : memref<32x512xf32, #tpu.memory_space<hbm>>) target(%dma_start3A_125 : memref<32x512xf32, #tpu.memory_space<vmem>>) target_semaphore(%dma_start3A_121 : memref<!tpu.dma_semaphore, #tpu.memory_space<semaphore_mem>>)
      } else {
      }
    }
    %while3A_38 = arith.constant 1 : i32
    scf.for %while3A_53 = %while3A_36 to %while3A_32 step %while3A_38  : i32 {
      %and3A_54 = arith.constant 1 : i32
      %and3A_55 = arith.andi %while3A_53, %and3A_54 : i32
      %dma_wait3A = arith.constant 0 : i32
      %dma_wait3A_56 = arith.constant 0 : i32
      %dma_wait3A_57 = tpu.memref_slice %arg5[%and3A_55, %dma_wait3A, %dma_wait3A_56] : memref<2x32x512xf32, #tpu.memory_space<vmem>> -> memref<1x32x512xf32, #tpu.memory_space<vmem>>
      %dma_wait3A_58 = tpu.memref_squeeze %dma_wait3A_57 : memref<1x32x512xf32, #tpu.memory_space<vmem>> -> memref<32x512xf32, #tpu.memory_space<vmem>>
      %dma_wait3A_59 = arith.constant 0 : i32
      %dma_wait3A_60 = arith.constant 0 : i32
      %dma_wait3A_61 = tpu.memref_slice %arg2[%dma_wait3A_59, %dma_wait3A_60] : memref<32x1000000xf32, #tpu.memory_space<hbm>> -> memref<32x512xf32, #tpu.memory_space<hbm>>
      %dma_wait3A_62 = tpu.memref_slice %arg7[%and3A_55] : memref<2x!tpu.dma_semaphore, #tpu.memory_space<semaphore_mem>> -> memref<1x!tpu.dma_semaphore, #tpu.memory_space<semaphore_mem>>
      %dma_wait3A_63 = tpu.memref_squeeze %dma_wait3A_62 : memref<1x!tpu.dma_semaphore, #tpu.memory_space<semaphore_mem>> -> memref<!tpu.dma_semaphore, #tpu.memory_space<semaphore_mem>>
      %dma_wait3A_64 = arith.constant 0 : i32
      %dma_wait3A_65 = arith.constant 0 : i32
      %dma_wait3A_66 = tpu.memref_slice %arg5[%and3A_55, %dma_wait3A_64, %dma_wait3A_65] : memref<2x32x512xf32, #tpu.memory_space<vmem>> -> memref<1x32x512xf32, #tpu.memory_space<vmem>>
      %dma_wait3A_67 = tpu.memref_squeeze %dma_wait3A_66 : memref<1x32x512xf32, #tpu.memory_space<vmem>> -> memref<32x512xf32, #tpu.memory_space<vmem>>
      %dma_wait3A_68 = arith.constant 0 : i32
      %dma_wait3A_69 = arith.constant 0 : i32
      %dma_wait3A_70 = tpu.memref_slice %arg2[%dma_wait3A_68, %dma_wait3A_69] : memref<32x1000000xf32, #tpu.memory_space<hbm>> -> memref<32x512xf32, #tpu.memory_space<hbm>>
      tpu.wait_dma2 semaphore(%dma_wait3A_63 : memref<!tpu.dma_semaphore, #tpu.memory_space<semaphore_mem>>) src(%dma_wait3A_70 : memref<32x512xf32, #tpu.memory_space<hbm>>) dst(%dma_wait3A_67 : memref<32x512xf32, #tpu.memory_space<vmem>>)
      %ge3A = arith.constant 2 : i32
      %ge3A_71 = arith.cmpi sge, %while3A_53, %ge3A : i32
      %convert_element_type3A_72 = arith.extui %ge3A_71 : i1 to i32
      %cond3A_73 = arith.constant 0 : i32
      %cond3A_74 = arith.cmpi ne, %convert_element_type3A_72, %cond3A_73 : i32
      scf.if %cond3A_74 {
        %dma_wait3A_107 = arith.constant 0 : i32
        %dma_wait3A_108 = arith.constant 0 : i32
        %dma_wait3A_109 = tpu.memref_slice %arg6[%and3A_55, %dma_wait3A_107, %dma_wait3A_108] : memref<2x128x128xf32, #tpu.memory_space<vmem>> -> memref<1x128x128xf32, #tpu.memory_space<vmem>>
        %dma_wait3A_110 = tpu.memref_squeeze %dma_wait3A_109 : memref<1x128x128xf32, #tpu.memory_space<vmem>> -> memref<128x128xf32, #tpu.memory_space<vmem>>
        %dma_wait3A_111 = arith.constant 0 : i32
        %dma_wait3A_112 = arith.constant 0 : i32
        %dma_wait3A_113 = tpu.memref_slice %arg4[%dma_wait3A_111, %dma_wait3A_112] : memref<250000x128xf32, #tpu.memory_space<hbm>> -> memref<128x128xf32, #tpu.memory_space<hbm>>
        %dma_wait3A_114 = tpu.memref_slice %arg8[%and3A_55] : memref<2x!tpu.dma_semaphore, #tpu.memory_space<semaphore_mem>> -> memref<1x!tpu.dma_semaphore, #tpu.memory_space<semaphore_mem>>
        %dma_wait3A_115 = tpu.memref_squeeze %dma_wait3A_114 : memref<1x!tpu.dma_semaphore, #tpu.memory_space<semaphore_mem>> -> memref<!tpu.dma_semaphore, #tpu.memory_space<semaphore_mem>>
        %dma_wait3A_116 = arith.constant 0 : i32
        %dma_wait3A_117 = arith.constant 0 : i32
        %dma_wait3A_118 = tpu.memref_slice %arg6[%and3A_55, %dma_wait3A_116, %dma_wait3A_117] : memref<2x128x128xf32, #tpu.memory_space<vmem>> -> memref<1x128x128xf32, #tpu.memory_space<vmem>>
        %dma_wait3A_119 = tpu.memref_squeeze %dma_wait3A_118 : memref<1x128x128xf32, #tpu.memory_space<vmem>> -> memref<128x128xf32, #tpu.memory_space<vmem>>
        %dma_wait3A_120 = arith.constant 0 : i32
        %dma_wait3A_121 = arith.constant 0 : i32
        %dma_wait3A_122 = tpu.memref_slice %arg4[%dma_wait3A_120, %dma_wait3A_121] : memref<250000x128xf32, #tpu.memory_space<hbm>> -> memref<128x128xf32, #tpu.memory_space<hbm>>
        tpu.wait_dma2 semaphore(%dma_wait3A_115 : memref<!tpu.dma_semaphore, #tpu.memory_space<semaphore_mem>>) src(%dma_wait3A_122 : memref<128x128xf32, #tpu.memory_space<hbm>>) dst(%dma_wait3A_119 : memref<128x128xf32, #tpu.memory_space<vmem>>)
      } else {
      }
      %iota3A = tpu.iota {dimensions = array<i32: 0>} : vector<16xi32>
      %add3A_75 = arith.constant 0 : i32
      %add3A_76 = vector.broadcast %add3A_75 : i32 to vector<16xi32>
      %add3A_77 = arith.addi %iota3A, %add3A_76 : vector<16xi32>
      %add3A_78 = arith.constant 16 : i32
      %add3A_79 = vector.broadcast %add3A_78 : i32 to vector<16xi32>
      %add3A_80 = arith.addi %iota3A, %add3A_79 : vector<16xi32>
      %broadcast_in_dim3A = arith.constant 0 : i32
      %broadcast_in_dim3A_81 = vector.broadcast %broadcast_in_dim3A : i32 to vector<16xi32>
      %parallel_loop3A = arith.constant 0 : i32
      %parallel_loop3A_82 = arith.constant 512 : i32
      %parallel_loop3A_83 = arith.constant 1 : i32
      scf.for %parallel_loop3A_107 = %parallel_loop3A to %parallel_loop3A_82 step %parallel_loop3A_83  : i32 {
        %parallel_loop3A_108 = vector.broadcast %parallel_loop3A_107 : i32 to vector<16xi32>
        %parallel_loop3A_109 = arith.addi %broadcast_in_dim3A_81, %parallel_loop3A_108 : vector<16xi32>
        %parallel_loop3A_110 = arith.constant 2 : i32
        %parallel_loop3A_111 = arith.shrsi %parallel_loop3A_107, %parallel_loop3A_110 : i32
        %parallel_loop3A_112 = arith.constant 3 : i32
        %parallel_loop3A_113 = arith.andi %parallel_loop3A_107, %parallel_loop3A_112 : i32
        %parallel_loop3A_114 = arith.constant 32 : i32
        %parallel_loop3A_115 = arith.muli %parallel_loop3A_113, %parallel_loop3A_114 : i32
        %parallel_loop3A_116 = arith.constant 0 : i32
        %parallel_loop3A_117 = arith.constant 0 : i32
        %parallel_loop3A_118 = tpu.memref_slice %arg5[%and3A_55, %parallel_loop3A_116, %parallel_loop3A_117] : memref<2x32x512xf32, #tpu.memory_space<vmem>> -> memref<1x32x512xf32, #tpu.memory_space<vmem>>
        %parallel_loop3A_119 = tpu.memref_squeeze %parallel_loop3A_118 : memref<1x32x512xf32, #tpu.memory_space<vmem>> -> memref<32x512xf32, #tpu.memory_space<vmem>>
        %parallel_loop3A_120 = tpu.vector_load_idx %parallel_loop3A_119[%add3A_77, %parallel_loop3A_109] : memref<32x512xf32, #tpu.memory_space<vmem>>[vector<16xi32>, vector<16xi32>], vector<16xf32>,
        %parallel_loop3A_121 = arith.constant 0 : i32
        %parallel_loop3A_122 = arith.addi %parallel_loop3A_115, %parallel_loop3A_121 : i32
        %parallel_loop3A_123 = arith.index_cast %and3A_55 : i32 to index
        %parallel_loop3A_124 = arith.index_cast %parallel_loop3A_111 : i32 to index
        %parallel_loop3A_125 = arith.index_cast %parallel_loop3A_122 : i32 to index
        %parallel_loop3A_126 = tpu.vector_load %arg6[%parallel_loop3A_123, %parallel_loop3A_124, %parallel_loop3A_125] {strides = array<i32>} : memref<2x128x128xf32, #tpu.memory_space<vmem>>, vector<16xf32>,
        tpu.vector_store %arg6[%parallel_loop3A_123, %parallel_loop3A_124, %parallel_loop3A_125], %parallel_loop3A_120 {strides = array<i32>} : memref<2x128x128xf32, #tpu.memory_space<vmem>>, vector<16xf32>,
        %parallel_loop3A_127 = arith.constant 0 : i32
        %parallel_loop3A_128 = arith.constant 0 : i32
        %parallel_loop3A_129 = tpu.memref_slice %arg5[%and3A_55, %parallel_loop3A_127, %parallel_loop3A_128] : memref<2x32x512xf32, #tpu.memory_space<vmem>> -> memref<1x32x512xf32, #tpu.memory_space<vmem>>
        %parallel_loop3A_130 = tpu.memref_squeeze %parallel_loop3A_129 : memref<1x32x512xf32, #tpu.memory_space<vmem>> -> memref<32x512xf32, #tpu.memory_space<vmem>>
        %parallel_loop3A_131 = tpu.vector_load_idx %parallel_loop3A_130[%add3A_80, %parallel_loop3A_109] : memref<32x512xf32, #tpu.memory_space<vmem>>[vector<16xi32>, vector<16xi32>], vector<16xf32>,
        %parallel_loop3A_132 = arith.constant 16 : i32
        %parallel_loop3A_133 = arith.addi %parallel_loop3A_115, %parallel_loop3A_132 : i32
        %parallel_loop3A_134 = arith.index_cast %and3A_55 : i32 to index
        %parallel_loop3A_135 = arith.index_cast %parallel_loop3A_111 : i32 to index
        %parallel_loop3A_136 = arith.index_cast %parallel_loop3A_133 : i32 to index
        %parallel_loop3A_137 = tpu.vector_load %arg6[%parallel_loop3A_134, %parallel_loop3A_135, %parallel_loop3A_136] {strides = array<i32>} : memref<2x128x128xf32, #tpu.memory_space<vmem>>, vector<16xf32>,
        tpu.vector_store %arg6[%parallel_loop3A_134, %parallel_loop3A_135, %parallel_loop3A_136], %parallel_loop3A_131 {strides = array<i32>} : memref<2x128x128xf32, #tpu.memory_space<vmem>>, vector<16xf32>,
      } {sc.loop_unroll_factor = 8 : i64, sc.parallel_access}
      %mul3A_84 = arith.constant 32 : i32
      %mul3A_85 = arith.muli %mul3A_84, %while3A_53 : i32
      %add3A_86 = arith.addi %add3A, %mul3A_85 : i32
      %mul3A_87 = arith.constant 128 : i32
      %mul3A_88 = arith.muli %add3A_86, %mul3A_87 : i32
      %dma_start3A = arith.constant 0 : i32
      %dma_start3A_89 = arith.constant 0 : i32
      %dma_start3A_90 = tpu.memref_slice %arg6[%and3A_55, %dma_start3A, %dma_start3A_89] : memref<2x128x128xf32, #tpu.memory_space<vmem>> -> memref<1x128x128xf32, #tpu.memory_space<vmem>>
      %dma_start3A_91 = tpu.memref_squeeze %dma_start3A_90 : memref<1x128x128xf32, #tpu.memory_space<vmem>> -> memref<128x128xf32, #tpu.memory_space<vmem>>
      %dma_start3A_92 = arith.constant 0 : i32
      %dma_start3A_93 = tpu.memref_slice %arg4[%mul3A_88, %dma_start3A_92] : memref<250000x128xf32, #tpu.memory_space<hbm>> -> memref<128x128xf32, #tpu.memory_space<hbm>>
      %dma_start3A_94 = tpu.memref_slice %arg8[%and3A_55] : memref<2x!tpu.dma_semaphore, #tpu.memory_space<semaphore_mem>> -> memref<1x!tpu.dma_semaphore, #tpu.memory_space<semaphore_mem>>
      %dma_start3A_95 = tpu.memref_squeeze %dma_start3A_94 : memref<1x!tpu.dma_semaphore, #tpu.memory_space<semaphore_mem>> -> memref<!tpu.dma_semaphore, #tpu.memory_space<semaphore_mem>>
      %dma_start3A_96 = arith.constant 0 : i32
      %dma_start3A_97 = tpu.memref_slice %arg4[%mul3A_88, %dma_start3A_96] : memref<250000x128xf32, #tpu.memory_space<hbm>> -> memref<128x128xf32, #tpu.memory_space<hbm>>
      %dma_start3A_98 = arith.constant 0 : i32
      %dma_start3A_99 = arith.constant 0 : i32
      %dma_start3A_100 = tpu.memref_slice %arg6[%and3A_55, %dma_start3A_98, %dma_start3A_99] : memref<2x128x128xf32, #tpu.memory_space<vmem>> -> memref<1x128x128xf32, #tpu.memory_space<vmem>>
      %dma_start3A_101 = tpu.memref_squeeze %dma_start3A_100 : memref<1x128x128xf32, #tpu.memory_space<vmem>> -> memref<128x128xf32, #tpu.memory_space<vmem>>
      tpu.enqueue_dma source(%dma_start3A_101 : memref<128x128xf32, #tpu.memory_space<vmem>>) target(%dma_start3A_97 : memref<128x128xf32, #tpu.memory_space<hbm>>) target_semaphore(%dma_start3A_95 : memref<!tpu.dma_semaphore, #tpu.memory_space<semaphore_mem>>)
      %add3A_102 = arith.constant 2 : i32
      %add3A_103 = arith.addi %while3A_53, %add3A_102 : i32
      %lt3A = arith.cmpi slt, %add3A_103, %select_n3A : i32
      %convert_element_type3A_104 = arith.extui %lt3A : i1 to i32
      %cond3A_105 = arith.constant 0 : i32
      %cond3A_106 = arith.cmpi ne, %convert_element_type3A_104, %cond3A_105 : i32
      scf.if %cond3A_106 {
        %add3A_107 = arith.constant 2 : i32
        %add3A_108 = arith.addi %while3A_53, %add3A_107 : i32
        %mul3A_109 = arith.constant 32 : i32
        %mul3A_110 = arith.muli %mul3A_109, %add3A_108 : i32
        %add3A_111 = arith.addi %add3A, %mul3A_110 : i32
        %mul3A_112 = arith.constant 512 : i32
        %mul3A_113 = arith.muli %add3A_111, %mul3A_112 : i32
        %dma_start3A_114 = arith.constant 0 : i32
        %dma_start3A_115 = arith.constant 0 : i32
        %dma_start3A_116 = tpu.memref_slice %arg5[%and3A_55, %dma_start3A_114, %dma_start3A_115] : memref<2x32x512xf32, #tpu.memory_space<vmem>> -> memref<1x32x512xf32, #tpu.memory_space<vmem>>
        %dma_start3A_117 = tpu.memref_squeeze %dma_start3A_116 : memref<1x32x512xf32, #tpu.memory_space<vmem>> -> memref<32x512xf32, #tpu.memory_space<vmem>>
        %dma_start3A_118 = arith.constant 0 : i32
        %dma_start3A_119 = tpu.memref_slice %arg2[%dma_start3A_118, %mul3A_113] : memref<32x1000000xf32, #tpu.memory_space<hbm>> -> memref<32x512xf32, #tpu.memory_space<hbm>>
        %dma_start3A_120 = tpu.memref_slice %arg7[%and3A_55] : memref<2x!tpu.dma_semaphore, #tpu.memory_space<semaphore_mem>> -> memref<1x!tpu.dma_semaphore, #tpu.memory_space<semaphore_mem>>
        %dma_start3A_121 = tpu.memref_squeeze %dma_start3A_120 : memref<1x!tpu.dma_semaphore, #tpu.memory_space<semaphore_mem>> -> memref<!tpu.dma_semaphore, #tpu.memory_space<semaphore_mem>>
        %dma_start3A_122 = arith.constant 0 : i32
        %dma_start3A_123 = arith.constant 0 : i32
        %dma_start3A_124 = tpu.memref_slice %arg5[%and3A_55, %dma_start3A_122, %dma_start3A_123] : memref<2x32x512xf32, #tpu.memory_space<vmem>> -> memref<1x32x512xf32, #tpu.memory_space<vmem>>
        %dma_start3A_125 = tpu.memref_squeeze %dma_start3A_124 : memref<1x32x512xf32, #tpu.memory_space<vmem>> -> memref<32x512xf32, #tpu.memory_space<vmem>>
        %dma_start3A_126 = arith.constant 0 : i32
        %dma_start3A_127 = tpu.memref_slice %arg2[%dma_start3A_126, %mul3A_113] : memref<32x1000000xf32, #tpu.memory_space<hbm>> -> memref<32x512xf32, #tpu.memory_space<hbm>>
        tpu.enqueue_dma source(%dma_start3A_127 : memref<32x512xf32, #tpu.memory_space<hbm>>) target(%dma_start3A_125 : memref<32x512xf32, #tpu.memory_space<vmem>>) target_semaphore(%dma_start3A_121 : memref<!tpu.dma_semaphore, #tpu.memory_space<semaphore_mem>>)
      } else {
      }
    }
    %gt3A_39 = arith.constant 0 : i32
    %gt3A_40 = arith.cmpi sgt, %select_n3A, %gt3A_39 : i32
    %convert_element_type3A_41 = arith.extui %gt3A_40 : i1 to i32
    %cond3A_42 = arith.constant 0 : i32
    %cond3A_43 = arith.cmpi ne, %convert_element_type3A_41, %cond3A_42 : i32
    scf.if %cond3A_43 {
      %dma_wait3A = arith.constant 0 : i32
      %dma_wait3A_53 = arith.constant 0 : i32
      %dma_wait3A_54 = arith.constant 0 : i32
      %dma_wait3A_55 = arith.constant 0 : i32
      %dma_wait3A_56 = tpu.memref_slice %arg6[%dma_wait3A, %dma_wait3A_54, %dma_wait3A_55] : memref<2x128x128xf32, #tpu.memory_space<vmem>> -> memref<1x128x128xf32, #tpu.memory_space<vmem>>
      %dma_wait3A_57 = tpu.memref_squeeze %dma_wait3A_56 : memref<1x128x128xf32, #tpu.memory_space<vmem>> -> memref<128x128xf32, #tpu.memory_space<vmem>>
      %dma_wait3A_58 = arith.constant 0 : i32
      %dma_wait3A_59 = arith.constant 0 : i32
      %dma_wait3A_60 = tpu.memref_slice %arg4[%dma_wait3A_58, %dma_wait3A_59] : memref<250000x128xf32, #tpu.memory_space<hbm>> -> memref<128x128xf32, #tpu.memory_space<hbm>>
      %dma_wait3A_61 = tpu.memref_slice %arg8[%dma_wait3A_53] : memref<2x!tpu.dma_semaphore, #tpu.memory_space<semaphore_mem>> -> memref<1x!tpu.dma_semaphore, #tpu.memory_space<semaphore_mem>>
      %dma_wait3A_62 = tpu.memref_squeeze %dma_wait3A_61 : memref<1x!tpu.dma_semaphore, #tpu.memory_space<semaphore_mem>> -> memref<!tpu.dma_semaphore, #tpu.memory_space<semaphore_mem>>
      %dma_wait3A_63 = arith.constant 0 : i32
      %dma_wait3A_64 = arith.constant 0 : i32
      %dma_wait3A_65 = tpu.memref_slice %arg6[%dma_wait3A, %dma_wait3A_63, %dma_wait3A_64] : memref<2x128x128xf32, #tpu.memory_space<vmem>> -> memref<1x128x128xf32, #tpu.memory_space<vmem>>
      %dma_wait3A_66 = tpu.memref_squeeze %dma_wait3A_65 : memref<1x128x128xf32, #tpu.memory_space<vmem>> -> memref<128x128xf32, #tpu.memory_space<vmem>>
      %dma_wait3A_67 = arith.constant 0 : i32
      %dma_wait3A_68 = arith.constant 0 : i32
      %dma_wait3A_69 = tpu.memref_slice %arg4[%dma_wait3A_67, %dma_wait3A_68] : memref<250000x128xf32, #tpu.memory_space<hbm>> -> memref<128x128xf32, #tpu.memory_space<hbm>>
      tpu.wait_dma2 semaphore(%dma_wait3A_62 : memref<!tpu.dma_semaphore, #tpu.memory_space<semaphore_mem>>) src(%dma_wait3A_69 : memref<128x128xf32, #tpu.memory_space<hbm>>) dst(%dma_wait3A_66 : memref<128x128xf32, #tpu.memory_space<vmem>>)
    } else {
    }
    %gt3A_44 = arith.constant 1 : i32
    %gt3A_45 = arith.cmpi sgt, %select_n3A, %gt3A_44 : i32
    %convert_element_type3A_46 = arith.extui %gt3A_45 : i1 to i32
    %cond3A_47 = arith.constant 0 : i32
    %cond3A_48 = arith.cmpi ne, %convert_element_type3A_46, %cond3A_47 : i32
    scf.if %cond3A_48 {
      %dma_wait3A = arith.constant 1 : i32
      %dma_wait3A_53 = arith.constant 1 : i32
      %dma_wait3A_54 = arith.constant 0 : i32
      %dma_wait3A_55 = arith.constant 0 : i32
      %dma_wait3A_56 = tpu.memref_slice %arg6[%dma_wait3A, %dma_wait3A_54, %dma_wait3A_55] : memref<2x128x128xf32, #tpu.memory_space<vmem>> -> memref<1x128x128xf32, #tpu.memory_space<vmem>>
      %dma_wait3A_57 = tpu.memref_squeeze %dma_wait3A_56 : memref<1x128x128xf32, #tpu.memory_space<vmem>> -> memref<128x128xf32, #tpu.memory_space<vmem>>
      %dma_wait3A_58 = arith.constant 0 : i32
      %dma_wait3A_59 = arith.constant 0 : i32
      %dma_wait3A_60 = tpu.memref_slice %arg4[%dma_wait3A_58, %dma_wait3A_59] : memref<250000x128xf32, #tpu.memory_space<hbm>> -> memref<128x128xf32, #tpu.memory_space<hbm>>
      %dma_wait3A_61 = tpu.memref_slice %arg8[%dma_wait3A_53] : memref<2x!tpu.dma_semaphore, #tpu.memory_space<semaphore_mem>> -> memref<1x!tpu.dma_semaphore, #tpu.memory_space<semaphore_mem>>
      %dma_wait3A_62 = tpu.memref_squeeze %dma_wait3A_61 : memref<1x!tpu.dma_semaphore, #tpu.memory_space<semaphore_mem>> -> memref<!tpu.dma_semaphore, #tpu.memory_space<semaphore_mem>>
      %dma_wait3A_63 = arith.constant 0 : i32
      %dma_wait3A_64 = arith.constant 0 : i32
      %dma_wait3A_65 = tpu.memref_slice %arg6[%dma_wait3A, %dma_wait3A_63, %dma_wait3A_64] : memref<2x128x128xf32, #tpu.memory_space<vmem>> -> memref<1x128x128xf32, #tpu.memory_space<vmem>>
      %dma_wait3A_66 = tpu.memref_squeeze %dma_wait3A_65 : memref<1x128x128xf32, #tpu.memory_space<vmem>> -> memref<128x128xf32, #tpu.memory_space<vmem>>
      %dma_wait3A_67 = arith.constant 0 : i32
      %dma_wait3A_68 = arith.constant 0 : i32
      %dma_wait3A_69 = tpu.memref_slice %arg4[%dma_wait3A_67, %dma_wait3A_68] : memref<250000x128xf32, #tpu.memory_space<hbm>> -> memref<128x128xf32, #tpu.memory_space<hbm>>
      tpu.wait_dma2 semaphore(%dma_wait3A_62 : memref<!tpu.dma_semaphore, #tpu.memory_space<semaphore_mem>>) src(%dma_wait3A_69 : memref<128x128xf32, #tpu.memory_space<hbm>>) dst(%dma_wait3A_66 : memref<128x128xf32, #tpu.memory_space<vmem>>)
    } else {
    }
    %eq3A = arith.constant 0 : i32
    %eq3A_49 = arith.cmpi eq, %add3A, %eq3A : i32
    %convert_element_type3A_50 = arith.extui %eq3A_49 : i1 to i32
    %cond3A_51 = arith.constant 0 : i32
    %cond3A_52 = arith.cmpi ne, %convert_element_type3A_50, %cond3A_51 : i32
    scf.if %cond3A_52 {
      %run_scoped3A = arith.constant 0 : i32
      "tpu.region"() ({
        %run_scoped3A_54 = tpu.sem_alloc : memref<!tpu.dma_semaphore, #tpu.memory_space<semaphore_mem>>
        %dma_start3A = arith.constant 0 : i32
        %dma_start3A_55 = arith.constant 0 : i32
        %dma_start3A_56 = tpu.memref_slice %arg6[%run_scoped3A, %dma_start3A, %dma_start3A_55] : memref<2x128x128xf32, #tpu.memory_space<vmem>> -> memref<1x16x128xf32, #tpu.memory_space<vmem>>
        %dma_start3A_57 = tpu.memref_squeeze %dma_start3A_56 : memref<1x16x128xf32, #tpu.memory_space<vmem>> -> memref<16x128xf32, #tpu.memory_space<vmem>>
        %dma_start3A_58 = arith.constant 0 : i32
        %dma_start3A_59 = arith.constant 0 : i32
        %dma_start3A_60 = tpu.memref_slice %arg6[%run_scoped3A, %dma_start3A_58, %dma_start3A_59] : memref<2x128x128xf32, #tpu.memory_space<vmem>> -> memref<1x16x128xf32, #tpu.memory_space<vmem>>
        %dma_start3A_61 = tpu.memref_squeeze %dma_start3A_60 : memref<1x16x128xf32, #tpu.memory_space<vmem>> -> memref<16x128xf32, #tpu.memory_space<vmem>>
        tpu.enqueue_dma source(%arg3 : memref<16x128xf32, #tpu.memory_space<hbm>>) target(%dma_start3A_61 : memref<16x128xf32, #tpu.memory_space<vmem>>) target_semaphore(%run_scoped3A_54 : memref<!tpu.dma_semaphore, #tpu.memory_space<semaphore_mem>>)
        %dma_wait3A = arith.constant 0 : i32
        %dma_wait3A_62 = arith.constant 0 : i32
        %dma_wait3A_63 = tpu.memref_slice %arg6[%run_scoped3A, %dma_wait3A, %dma_wait3A_62] : memref<2x128x128xf32, #tpu.memory_space<vmem>> -> memref<1x16x128xf32, #tpu.memory_space<vmem>>
        %dma_wait3A_64 = tpu.memref_squeeze %dma_wait3A_63 : memref<1x16x128xf32, #tpu.memory_space<vmem>> -> memref<16x128xf32, #tpu.memory_space<vmem>>
        %dma_wait3A_65 = arith.constant 0 : i32
        %dma_wait3A_66 = arith.constant 0 : i32
        %dma_wait3A_67 = tpu.memref_slice %arg6[%run_scoped3A, %dma_wait3A_65, %dma_wait3A_66] : memref<2x128x128xf32, #tpu.memory_space<vmem>> -> memref<1x16x128xf32, #tpu.memory_space<vmem>>
        %dma_wait3A_68 = tpu.memref_squeeze %dma_wait3A_67 : memref<1x16x128xf32, #tpu.memory_space<vmem>> -> memref<16x128xf32, #tpu.memory_space<vmem>>
        tpu.wait_dma2 semaphore(%run_scoped3A_54 : memref<!tpu.dma_semaphore, #tpu.memory_space<semaphore_mem>>) src(%arg3 : memref<16x128xf32, #tpu.memory_space<hbm>>) dst(%dma_wait3A_68 : memref<16x128xf32, #tpu.memory_space<vmem>>)
        tpu.yield
      }) : () -> ()
      %run_scoped3A_53 = arith.constant 0 : i32
      "tpu.region"() ({
        %run_scoped3A_54 = tpu.sem_alloc : memref<!tpu.dma_semaphore, #tpu.memory_space<semaphore_mem>>
        %dma_start3A = arith.constant 0 : i32
        %dma_start3A_55 = arith.constant 0 : i32
        %dma_start3A_56 = tpu.memref_slice %arg6[%run_scoped3A_53, %dma_start3A, %dma_start3A_55] : memref<2x128x128xf32, #tpu.memory_space<vmem>> -> memref<1x16x128xf32, #tpu.memory_space<vmem>>
        %dma_start3A_57 = tpu.memref_squeeze %dma_start3A_56 : memref<1x16x128xf32, #tpu.memory_space<vmem>> -> memref<16x128xf32, #tpu.memory_space<vmem>>
        %dma_start3A_58 = arith.constant 249984 : i32
        %dma_start3A_59 = arith.constant 0 : i32
        %dma_start3A_60 = tpu.memref_slice %arg4[%dma_start3A_58, %dma_start3A_59] : memref<250000x128xf32, #tpu.memory_space<hbm>> -> memref<16x128xf32, #tpu.memory_space<hbm>>
        %dma_start3A_61 = arith.constant 249984 : i32
        %dma_start3A_62 = arith.constant 0 : i32
        %dma_start3A_63 = tpu.memref_slice %arg4[%dma_start3A_61, %dma_start3A_62] : memref<250000x128xf32, #tpu.memory_space<hbm>> -> memref<16x128xf32, #tpu.memory_space<hbm>>
        %dma_start3A_64 = arith.constant 0 : i32
        %dma_start3A_65 = arith.constant 0 : i32
        %dma_start3A_66 = tpu.memref_slice %arg6[%run_scoped3A_53, %dma_start3A_64, %dma_start3A_65] : memref<2x128x128xf32, #tpu.memory_space<vmem>> -> memref<1x16x128xf32, #tpu.memory_space<vmem>>
        %dma_start3A_67 = tpu.memref_squeeze %dma_start3A_66 : memref<1x16x128xf32, #tpu.memory_space<vmem>> -> memref<16x128xf32, #tpu.memory_space<vmem>>
        tpu.enqueue_dma source(%dma_start3A_67 : memref<16x128xf32, #tpu.memory_space<vmem>>) target(%dma_start3A_63 : memref<16x128xf32, #tpu.memory_space<hbm>>) target_semaphore(%run_scoped3A_54 : memref<!tpu.dma_semaphore, #tpu.memory_space<semaphore_mem>>)
        %dma_wait3A = arith.constant 0 : i32
        %dma_wait3A_68 = arith.constant 0 : i32
        %dma_wait3A_69 = tpu.memref_slice %arg6[%run_scoped3A_53, %dma_wait3A, %dma_wait3A_68] : memref<2x128x128xf32, #tpu.memory_space<vmem>> -> memref<1x16x128xf32, #tpu.memory_space<vmem>>
        %dma_wait3A_70 = tpu.memref_squeeze %dma_wait3A_69 : memref<1x16x128xf32, #tpu.memory_space<vmem>> -> memref<16x128xf32, #tpu.memory_space<vmem>>
        %dma_wait3A_71 = arith.constant 249984 : i32
        %dma_wait3A_72 = arith.constant 0 : i32
        %dma_wait3A_73 = tpu.memref_slice %arg4[%dma_wait3A_71, %dma_wait3A_72] : memref<250000x128xf32, #tpu.memory_space<hbm>> -> memref<16x128xf32, #tpu.memory_space<hbm>>
        %dma_wait3A_74 = arith.constant 249984 : i32
        %dma_wait3A_75 = arith.constant 0 : i32
        %dma_wait3A_76 = tpu.memref_slice %arg4[%dma_wait3A_74, %dma_wait3A_75] : memref<250000x128xf32, #tpu.memory_space<hbm>> -> memref<16x128xf32, #tpu.memory_space<hbm>>
        %dma_wait3A_77 = arith.constant 0 : i32
        %dma_wait3A_78 = arith.constant 0 : i32
        %dma_wait3A_79 = tpu.memref_slice %arg6[%run_scoped3A_53, %dma_wait3A_77, %dma_wait3A_78] : memref<2x128x128xf32, #tpu.memory_space<vmem>> -> memref<1x16x128xf32, #tpu.memory_space<vmem>>
        %dma_wait3A_80 = tpu.memref_squeeze %dma_wait3A_79 : memref<1x16x128xf32, #tpu.memory_space<vmem>> -> memref<16x128xf32, #tpu.memory_space<vmem>>
        tpu.wait_dma2 semaphore(%run_scoped3A_54 : memref<!tpu.dma_semaphore, #tpu.memory_space<semaphore_mem>>) src(%dma_wait3A_80 : memref<16x128xf32, #tpu.memory_space<vmem>>) dst(%dma_wait3A_76 : memref<16x128xf32, #tpu.memory_space<hbm>>)
        tpu.yield
      }) : () -> ()
    } else {
    }
    return
  }
}

#map = affine_map<(d0, d1) -> (0, 0)>
#map1 = affine_map<(d0, d1) -> (0, 0, 0, 0, 0)>
module attributes {stable_mosaic.version = 14 : i64} {
  func.func @_emb_body(%arg0: i32, %arg1: i32, %arg2: memref<1000000x32xf32, #tpu.memory_space<hbm>>, %arg3: memref<26x16384xi32, #tpu.memory_space<hbm>>, %arg4: memref<26x4x128x8x128xf32, #tpu.memory_space<hbm>>, %arg5: memref<26x512xi32, #tpu.memory_space<vmem>>, %arg6: memref<4x128x32xf32, #tpu.memory_space<vmem>>, %arg7: memref<4x4x8x128xf32, #tpu.memory_space<vmem>>, %arg8: memref<4x!tpu.dma_semaphore, #tpu.memory_space<semaphore_mem>>, %arg9: memref<4x!tpu.dma_semaphore, #tpu.memory_space<semaphore_mem>>) attributes {dimension_semantics = [#tpu.dimension_semantics<core_parallel>, #tpu.dimension_semantics<subcore_parallel>], iteration_bounds = array<i64: 2, 16>, scalar_prefetch = 0 : i64, scratch_operands = 5 : i64, tpu.core_type = #tpu.core_type<sc_vector_subcore>, window_params = [{transform_indices = #map}, {transform_indices = #map}, {transform_indices = #map1}]} {
    %mul3A = arith.constant 2 : i32
    %mul3A_0 = arith.muli %arg1, %mul3A : i32
    %add3A = arith.addi %mul3A_0, %arg0 : i32
    %mul3A_1 = arith.constant 512 : i32
    %mul3A_2 = arith.muli %add3A, %mul3A_1 : i32
    "tpu.region"() ({
      %run_scoped3A = tpu.sem_alloc : memref<!tpu.dma_semaphore, #tpu.memory_space<semaphore_mem>>
      %dma_start3A_73 = arith.constant 0 : i32
      %dma_start3A_74 = tpu.memref_slice %arg3[%dma_start3A_73, %mul3A_2] : memref<26x16384xi32, #tpu.memory_space<hbm>> -> memref<26x512xi32, #tpu.memory_space<hbm>>
      %dma_start3A_75 = arith.constant 0 : i32
      %dma_start3A_76 = tpu.memref_slice %arg3[%dma_start3A_75, %mul3A_2] : memref<26x16384xi32, #tpu.memory_space<hbm>> -> memref<26x512xi32, #tpu.memory_space<hbm>>
      tpu.enqueue_dma source(%dma_start3A_76 : memref<26x512xi32, #tpu.memory_space<hbm>>) target(%arg5 : memref<26x512xi32, #tpu.memory_space<vmem>>) target_semaphore(%run_scoped3A : memref<!tpu.dma_semaphore, #tpu.memory_space<semaphore_mem>>)
      %dma_wait3A = arith.constant 0 : i32
      %dma_wait3A_77 = tpu.memref_slice %arg3[%dma_wait3A, %mul3A_2] : memref<26x16384xi32, #tpu.memory_space<hbm>> -> memref<26x512xi32, #tpu.memory_space<hbm>>
      %dma_wait3A_78 = arith.constant 0 : i32
      %dma_wait3A_79 = tpu.memref_slice %arg3[%dma_wait3A_78, %mul3A_2] : memref<26x16384xi32, #tpu.memory_space<hbm>> -> memref<26x512xi32, #tpu.memory_space<hbm>>
      tpu.wait_dma2 semaphore(%run_scoped3A : memref<!tpu.dma_semaphore, #tpu.memory_space<semaphore_mem>>) src(%dma_wait3A_79 : memref<26x512xi32, #tpu.memory_space<hbm>>) dst(%arg5 : memref<26x512xi32, #tpu.memory_space<vmem>>)
      tpu.yield
    }) : () -> ()
    %dma_start3A = arith.constant 0 : i32
    %dma_start3A_3 = arith.constant 0 : i32
    %dma_start3A_4 = arith.constant 0 : i32
    %dma_start3A_5 = arith.constant 0 : i32
    %dma_start3A_6 = arith.constant 0 : i32
    %dma_start3A_7 = tpu.memref_slice %arg6[%dma_start3A_3, %dma_start3A_5, %dma_start3A_6] : memref<4x128x32xf32, #tpu.memory_space<vmem>> -> memref<1x128x32xf32, #tpu.memory_space<vmem>>
    %dma_start3A_8 = tpu.memref_squeeze %dma_start3A_7 : memref<1x128x32xf32, #tpu.memory_space<vmem>> -> memref<128x32xf32, #tpu.memory_space<vmem>>
    %dma_start3A_9 = arith.constant 0 : i32
    %dma_start3A_10 = tpu.memref_slice %arg5[%dma_start3A, %dma_start3A_9] : memref<26x512xi32, #tpu.memory_space<vmem>> -> memref<1x128xi32, #tpu.memory_space<vmem>>
    %dma_start3A_11 = tpu.memref_squeeze %dma_start3A_10 : memref<1x128xi32, #tpu.memory_space<vmem>> -> memref<128xi32, #tpu.memory_space<vmem>>
    %dma_start3A_12 = arith.constant 0 : i32
    %dma_start3A_13 = arith.constant 0 : i32
    %dma_start3A_14 = tpu.memref_slice %arg2[%dma_start3A_12, %dma_start3A_13] : memref<1000000x32xf32, #tpu.memory_space<hbm>> -> memref<1000000x32xf32, #tpu.memory_space<hbm>>
    %dma_start3A_15 = tpu.memref_slice %arg8[%dma_start3A_4] : memref<4x!tpu.dma_semaphore, #tpu.memory_space<semaphore_mem>> -> memref<1x!tpu.dma_semaphore, #tpu.memory_space<semaphore_mem>>
    %dma_start3A_16 = tpu.memref_squeeze %dma_start3A_15 : memref<1x!tpu.dma_semaphore, #tpu.memory_space<semaphore_mem>> -> memref<!tpu.dma_semaphore, #tpu.memory_space<semaphore_mem>>
    tpu.enqueue_indirect_dma source(%dma_start3A_14 : memref<1000000x32xf32, #tpu.memory_space<hbm>>) target(%dma_start3A_8 : memref<128x32xf32, #tpu.memory_space<vmem>>) offsets(%dma_start3A_11 : memref<128xi32, #tpu.memory_space<vmem>>) semaphore(%dma_start3A_16 : memref<!tpu.dma_semaphore, #tpu.memory_space<semaphore_mem>>)
    %dma_start3A_17 = arith.constant 0 : i32
    %dma_start3A_18 = arith.constant 1 : i32
    %dma_start3A_19 = arith.constant 1 : i32
    %dma_start3A_20 = arith.constant 0 : i32
    %dma_start3A_21 = arith.constant 0 : i32
    %dma_start3A_22 = tpu.memref_slice %arg6[%dma_start3A_18, %dma_start3A_20, %dma_start3A_21] : memref<4x128x32xf32, #tpu.memory_space<vmem>> -> memref<1x128x32xf32, #tpu.memory_space<vmem>>
    %dma_start3A_23 = tpu.memref_squeeze %dma_start3A_22 : memref<1x128x32xf32, #tpu.memory_space<vmem>> -> memref<128x32xf32, #tpu.memory_space<vmem>>
    %dma_start3A_24 = arith.constant 128 : i32
    %dma_start3A_25 = tpu.memref_slice %arg5[%dma_start3A_17, %dma_start3A_24] : memref<26x512xi32, #tpu.memory_space<vmem>> -> memref<1x128xi32, #tpu.memory_space<vmem>>
    %dma_start3A_26 = tpu.memref_squeeze %dma_start3A_25 : memref<1x128xi32, #tpu.memory_space<vmem>> -> memref<128xi32, #tpu.memory_space<vmem>>
    %dma_start3A_27 = arith.constant 0 : i32
    %dma_start3A_28 = arith.constant 0 : i32
    %dma_start3A_29 = tpu.memref_slice %arg2[%dma_start3A_27, %dma_start3A_28] : memref<1000000x32xf32, #tpu.memory_space<hbm>> -> memref<1000000x32xf32, #tpu.memory_space<hbm>>
    %dma_start3A_30 = tpu.memref_slice %arg8[%dma_start3A_19] : memref<4x!tpu.dma_semaphore, #tpu.memory_space<semaphore_mem>> -> memref<1x!tpu.dma_semaphore, #tpu.memory_space<semaphore_mem>>
    %dma_start3A_31 = tpu.memref_squeeze %dma_start3A_30 : memref<1x!tpu.dma_semaphore, #tpu.memory_space<semaphore_mem>> -> memref<!tpu.dma_semaphore, #tpu.memory_space<semaphore_mem>>
    tpu.enqueue_indirect_dma source(%dma_start3A_29 : memref<1000000x32xf32, #tpu.memory_space<hbm>>) target(%dma_start3A_23 : memref<128x32xf32, #tpu.memory_space<vmem>>) offsets(%dma_start3A_26 : memref<128xi32, #tpu.memory_space<vmem>>) semaphore(%dma_start3A_31 : memref<!tpu.dma_semaphore, #tpu.memory_space<semaphore_mem>>)
    %dma_start3A_32 = arith.constant 0 : i32
    %dma_start3A_33 = arith.constant 2 : i32
    %dma_start3A_34 = arith.constant 2 : i32
    %dma_start3A_35 = arith.constant 0 : i32
    %dma_start3A_36 = arith.constant 0 : i32
    %dma_start3A_37 = tpu.memref_slice %arg6[%dma_start3A_33, %dma_start3A_35, %dma_start3A_36] : memref<4x128x32xf32, #tpu.memory_space<vmem>> -> memref<1x128x32xf32, #tpu.memory_space<vmem>>
    %dma_start3A_38 = tpu.memref_squeeze %dma_start3A_37 : memref<1x128x32xf32, #tpu.memory_space<vmem>> -> memref<128x32xf32, #tpu.memory_space<vmem>>
    %dma_start3A_39 = arith.constant 256 : i32
    %dma_start3A_40 = tpu.memref_slice %arg5[%dma_start3A_32, %dma_start3A_39] : memref<26x512xi32, #tpu.memory_space<vmem>> -> memref<1x128xi32, #tpu.memory_space<vmem>>
    %dma_start3A_41 = tpu.memref_squeeze %dma_start3A_40 : memref<1x128xi32, #tpu.memory_space<vmem>> -> memref<128xi32, #tpu.memory_space<vmem>>
    %dma_start3A_42 = arith.constant 0 : i32
    %dma_start3A_43 = arith.constant 0 : i32
    %dma_start3A_44 = tpu.memref_slice %arg2[%dma_start3A_42, %dma_start3A_43] : memref<1000000x32xf32, #tpu.memory_space<hbm>> -> memref<1000000x32xf32, #tpu.memory_space<hbm>>
    %dma_start3A_45 = tpu.memref_slice %arg8[%dma_start3A_34] : memref<4x!tpu.dma_semaphore, #tpu.memory_space<semaphore_mem>> -> memref<1x!tpu.dma_semaphore, #tpu.memory_space<semaphore_mem>>
    %dma_start3A_46 = tpu.memref_squeeze %dma_start3A_45 : memref<1x!tpu.dma_semaphore, #tpu.memory_space<semaphore_mem>> -> memref<!tpu.dma_semaphore, #tpu.memory_space<semaphore_mem>>
    tpu.enqueue_indirect_dma source(%dma_start3A_44 : memref<1000000x32xf32, #tpu.memory_space<hbm>>) target(%dma_start3A_38 : memref<128x32xf32, #tpu.memory_space<vmem>>) offsets(%dma_start3A_41 : memref<128xi32, #tpu.memory_space<vmem>>) semaphore(%dma_start3A_46 : memref<!tpu.dma_semaphore, #tpu.memory_space<semaphore_mem>>)
    %dma_start3A_47 = arith.constant 0 : i32
    %dma_start3A_48 = arith.constant 3 : i32
    %dma_start3A_49 = arith.constant 3 : i32
    %dma_start3A_50 = arith.constant 0 : i32
    %dma_start3A_51 = arith.constant 0 : i32
    %dma_start3A_52 = tpu.memref_slice %arg6[%dma_start3A_48, %dma_start3A_50, %dma_start3A_51] : memref<4x128x32xf32, #tpu.memory_space<vmem>> -> memref<1x128x32xf32, #tpu.memory_space<vmem>>
    %dma_start3A_53 = tpu.memref_squeeze %dma_start3A_52 : memref<1x128x32xf32, #tpu.memory_space<vmem>> -> memref<128x32xf32, #tpu.memory_space<vmem>>
    %dma_start3A_54 = arith.constant 384 : i32
    %dma_start3A_55 = tpu.memref_slice %arg5[%dma_start3A_47, %dma_start3A_54] : memref<26x512xi32, #tpu.memory_space<vmem>> -> memref<1x128xi32, #tpu.memory_space<vmem>>
    %dma_start3A_56 = tpu.memref_squeeze %dma_start3A_55 : memref<1x128xi32, #tpu.memory_space<vmem>> -> memref<128xi32, #tpu.memory_space<vmem>>
    %dma_start3A_57 = arith.constant 0 : i32
    %dma_start3A_58 = arith.constant 0 : i32
    %dma_start3A_59 = tpu.memref_slice %arg2[%dma_start3A_57, %dma_start3A_58] : memref<1000000x32xf32, #tpu.memory_space<hbm>> -> memref<1000000x32xf32, #tpu.memory_space<hbm>>
    %dma_start3A_60 = tpu.memref_slice %arg8[%dma_start3A_49] : memref<4x!tpu.dma_semaphore, #tpu.memory_space<semaphore_mem>> -> memref<1x!tpu.dma_semaphore, #tpu.memory_space<semaphore_mem>>
    %dma_start3A_61 = tpu.memref_squeeze %dma_start3A_60 : memref<1x!tpu.dma_semaphore, #tpu.memory_space<semaphore_mem>> -> memref<!tpu.dma_semaphore, #tpu.memory_space<semaphore_mem>>
    tpu.enqueue_indirect_dma source(%dma_start3A_59 : memref<1000000x32xf32, #tpu.memory_space<hbm>>) target(%dma_start3A_53 : memref<128x32xf32, #tpu.memory_space<vmem>>) offsets(%dma_start3A_56 : memref<128xi32, #tpu.memory_space<vmem>>) semaphore(%dma_start3A_61 : memref<!tpu.dma_semaphore, #tpu.memory_space<semaphore_mem>>)
    %scan3A = arith.constant 0 : i32
    %scan3A_62 = arith.constant 0 : i32
    %scan3A_63 = arith.constant 104 : i32
    %scan3A_64 = arith.addi %scan3A_62, %scan3A_63 : i32
    %scan3A_65 = arith.constant 1 : i32
    scf.for %scan3A_73 = %scan3A_62 to %scan3A_64 step %scan3A_65  : i32 {
      %and3A = arith.constant 3 : i32
      %and3A_74 = arith.andi %scan3A_73, %and3A : i32
      %jit3A = arith.constant 4 : i32
      %div3A = arith.divsi %scan3A_73, %jit3A : i32
      %sign3A = arith.constant 0 : i32
      %sign3A_75 = arith.cmpi sgt, %scan3A_73, %sign3A : i32
      %sign3A_76 = arith.extui %sign3A_75 : i1 to i32
      %sign3A_77 = arith.constant 0 : i32
      %sign3A_78 = arith.cmpi slt, %scan3A_73, %sign3A_77 : i32
      %sign3A_79 = arith.extui %sign3A_78 : i1 to i32
      %sign3A_80 = arith.subi %sign3A_76, %sign3A_79 : i32
      %sign3A_81 = arith.constant 0 : i32
      %sign3A_82 = arith.cmpi sgt, %jit3A, %sign3A_81 : i32
      %sign3A_83 = arith.extui %sign3A_82 : i1 to i32
      %sign3A_84 = arith.constant 0 : i32
      %sign3A_85 = arith.cmpi slt, %jit3A, %sign3A_84 : i32
      %sign3A_86 = arith.extui %sign3A_85 : i1 to i32
      %sign3A_87 = arith.subi %sign3A_83, %sign3A_86 : i32
      %ne3A = arith.cmpi ne, %sign3A_80, %sign3A_87 : i32
      %rem3A = arith.remsi %scan3A_73, %jit3A : i32
      %ne3A_88 = arith.constant 0 : i32
      %ne3A_89 = arith.cmpi ne, %rem3A, %ne3A_88 : i32
      %and3A_90 = arith.andi %ne3A, %ne3A_89 : i1
      %sub3A = arith.constant 1 : i32
      %sub3A_91 = arith.subi %div3A, %sub3A : i32
      %select_n3A = arith.select %and3A_90, %sub3A_91, %div3A : i32
      %jit3A_92 = arith.constant 4 : i32
      %eq3A = arith.constant 0 : i32
      %eq3A_93 = arith.cmpi eq, %jit3A_92, %eq3A : i32
      %jit3A_94 = arith.constant 1 : i32
      %select_n3A_95 = arith.select %eq3A_93, %jit3A_94, %jit3A_92 : i32
      %rem3A_96 = arith.remsi %scan3A_73, %select_n3A_95 : i32
      %ne3A_97 = arith.constant 0 : i32
      %ne3A_98 = arith.cmpi ne, %rem3A_96, %ne3A_97 : i32
      %lt3A = arith.constant 0 : i32
      %lt3A_99 = arith.cmpi slt, %rem3A_96, %lt3A : i32
      %lt3A_100 = arith.constant 0 : i32
      %lt3A_101 = arith.cmpi slt, %select_n3A_95, %lt3A_100 : i32
      %ne3A_102 = arith.xori %lt3A_99, %lt3A_101 : i1
      %and3A_103 = arith.andi %ne3A_102, %ne3A_98 : i1
      %add3A_104 = arith.addi %rem3A_96, %select_n3A_95 : i32
      %select_n3A_105 = arith.select %and3A_103, %add3A_104, %rem3A_96 : i32
      %jit3A_106 = arith.constant 4 : i32
      %div3A_107 = arith.divsi %scan3A_73, %jit3A_106 : i32
      %sign3A_108 = arith.constant 0 : i32
      %sign3A_109 = arith.cmpi sgt, %scan3A_73, %sign3A_108 : i32
      %sign3A_110 = arith.extui %sign3A_109 : i1 to i32
      %sign3A_111 = arith.constant 0 : i32
      %sign3A_112 = arith.cmpi slt, %scan3A_73, %sign3A_111 : i32
      %sign3A_113 = arith.extui %sign3A_112 : i1 to i32
      %sign3A_114 = arith.subi %sign3A_110, %sign3A_113 : i32
      %sign3A_115 = arith.constant 0 : i32
      %sign3A_116 = arith.cmpi sgt, %jit3A_106, %sign3A_115 : i32
      %sign3A_117 = arith.extui %sign3A_116 : i1 to i32
      %sign3A_118 = arith.constant 0 : i32
      %sign3A_119 = arith.cmpi slt, %jit3A_106, %sign3A_118 : i32
      %sign3A_120 = arith.extui %sign3A_119 : i1 to i32
      %sign3A_121 = arith.subi %sign3A_117, %sign3A_120 : i32
      %ne3A_122 = arith.cmpi ne, %sign3A_114, %sign3A_121 : i32
      %rem3A_123 = arith.remsi %scan3A_73, %jit3A_106 : i32
      %ne3A_124 = arith.constant 0 : i32
      %ne3A_125 = arith.cmpi ne, %rem3A_123, %ne3A_124 : i32
      %and3A_126 = arith.andi %ne3A_122, %ne3A_125 : i1
      %sub3A_127 = arith.constant 1 : i32
      %sub3A_128 = arith.subi %div3A_107, %sub3A_127 : i32
      %select_n3A_129 = arith.select %and3A_126, %sub3A_128, %div3A_107 : i32
      %jit3A_130 = arith.constant 4 : i32
      %eq3A_131 = arith.constant 0 : i32
      %eq3A_132 = arith.cmpi eq, %jit3A_130, %eq3A_131 : i32
      %jit3A_133 = arith.constant 1 : i32
      %select_n3A_134 = arith.select %eq3A_132, %jit3A_133, %jit3A_130 : i32
      %rem3A_135 = arith.remsi %scan3A_73, %select_n3A_134 : i32
      %ne3A_136 = arith.constant 0 : i32
      %ne3A_137 = arith.cmpi ne, %rem3A_135, %ne3A_136 : i32
      %lt3A_138 = arith.constant 0 : i32
      %lt3A_139 = arith.cmpi slt, %rem3A_135, %lt3A_138 : i32
      %lt3A_140 = arith.constant 0 : i32
      %lt3A_141 = arith.cmpi slt, %select_n3A_134, %lt3A_140 : i32
      %ne3A_142 = arith.xori %lt3A_139, %lt3A_141 : i1
      %and3A_143 = arith.andi %ne3A_142, %ne3A_137 : i1
      %add3A_144 = arith.addi %rem3A_135, %select_n3A_134 : i32
      %select_n3A_145 = arith.select %and3A_143, %add3A_144, %rem3A_135 : i32
      %mul3A_146 = arith.constant 128 : i32
      %mul3A_147 = arith.muli %select_n3A_145, %mul3A_146 : i32
      %dma_wait3A = arith.constant 0 : i32
      %dma_wait3A_148 = arith.constant 0 : i32
      %dma_wait3A_149 = tpu.memref_slice %arg6[%and3A_74, %dma_wait3A, %dma_wait3A_148] : memref<4x128x32xf32, #tpu.memory_space<vmem>> -> memref<1x128x32xf32, #tpu.memory_space<vmem>>
      %dma_wait3A_150 = tpu.memref_squeeze %dma_wait3A_149 : memref<1x128x32xf32, #tpu.memory_space<vmem>> -> memref<128x32xf32, #tpu.memory_space<vmem>>
      %dma_wait3A_151 = tpu.memref_slice %arg5[%select_n3A_129, %mul3A_147] : memref<26x512xi32, #tpu.memory_space<vmem>> -> memref<1x128xi32, #tpu.memory_space<vmem>>
      %dma_wait3A_152 = tpu.memref_squeeze %dma_wait3A_151 : memref<1x128xi32, #tpu.memory_space<vmem>> -> memref<128xi32, #tpu.memory_space<vmem>>
      %dma_wait3A_153 = arith.constant 0 : i32
      %dma_wait3A_154 = arith.constant 0 : i32
      %dma_wait3A_155 = tpu.memref_slice %arg2[%dma_wait3A_153, %dma_wait3A_154] : memref<1000000x32xf32, #tpu.memory_space<hbm>> -> memref<1000000x32xf32, #tpu.memory_space<hbm>>
      %dma_wait3A_156 = tpu.memref_slice %arg8[%and3A_74] : memref<4x!tpu.dma_semaphore, #tpu.memory_space<semaphore_mem>> -> memref<1x!tpu.dma_semaphore, #tpu.memory_space<semaphore_mem>>
      %dma_wait3A_157 = tpu.memref_squeeze %dma_wait3A_156 : memref<1x!tpu.dma_semaphore, #tpu.memory_space<semaphore_mem>> -> memref<!tpu.dma_semaphore, #tpu.memory_space<semaphore_mem>>
      tpu.wait_indirect_dma semaphore(%dma_wait3A_157 : memref<!tpu.dma_semaphore, #tpu.memory_space<semaphore_mem>>) src(%dma_wait3A_155 : memref<1000000x32xf32, #tpu.memory_space<hbm>>) dst(%dma_wait3A_150 : memref<128x32xf32, #tpu.memory_space<vmem>>)
      %ge3A = arith.constant 4 : i32
      %ge3A_158 = arith.cmpi sge, %scan3A_73, %ge3A : i32
      %convert_element_type3A = arith.extui %ge3A_158 : i1 to i32
      %cond3A = arith.constant 0 : i32
      %cond3A_159 = arith.cmpi ne, %convert_element_type3A, %cond3A : i32
      scf.if %cond3A_159 {
        %jit3A_259 = arith.constant 4 : i32
        %div3A_260 = arith.divsi %scan3A_73, %jit3A_259 : i32
        %sign3A_261 = arith.constant 0 : i32
        %sign3A_262 = arith.cmpi sgt, %scan3A_73, %sign3A_261 : i32
        %sign3A_263 = arith.extui %sign3A_262 : i1 to i32
        %sign3A_264 = arith.constant 0 : i32
        %sign3A_265 = arith.cmpi slt, %scan3A_73, %sign3A_264 : i32
        %sign3A_266 = arith.extui %sign3A_265 : i1 to i32
        %sign3A_267 = arith.subi %sign3A_263, %sign3A_266 : i32
        %sign3A_268 = arith.constant 0 : i32
        %sign3A_269 = arith.cmpi sgt, %jit3A_259, %sign3A_268 : i32
        %sign3A_270 = arith.extui %sign3A_269 : i1 to i32
        %sign3A_271 = arith.constant 0 : i32
        %sign3A_272 = arith.cmpi slt, %jit3A_259, %sign3A_271 : i32
        %sign3A_273 = arith.extui %sign3A_272 : i1 to i32
        %sign3A_274 = arith.subi %sign3A_270, %sign3A_273 : i32
        %ne3A_275 = arith.cmpi ne, %sign3A_267, %sign3A_274 : i32
        %rem3A_276 = arith.remsi %scan3A_73, %jit3A_259 : i32
        %ne3A_277 = arith.constant 0 : i32
        %ne3A_278 = arith.cmpi ne, %rem3A_276, %ne3A_277 : i32
        %and3A_279 = arith.andi %ne3A_275, %ne3A_278 : i1
        %sub3A_280 = arith.constant 1 : i32
        %sub3A_281 = arith.subi %div3A_260, %sub3A_280 : i32
        %select_n3A_282 = arith.select %and3A_279, %sub3A_281, %div3A_260 : i32
        %jit3A_283 = arith.constant 4 : i32
        %eq3A_284 = arith.constant 0 : i32
        %eq3A_285 = arith.cmpi eq, %jit3A_283, %eq3A_284 : i32
        %jit3A_286 = arith.constant 1 : i32
        %select_n3A_287 = arith.select %eq3A_285, %jit3A_286, %jit3A_283 : i32
        %rem3A_288 = arith.remsi %scan3A_73, %select_n3A_287 : i32
        %ne3A_289 = arith.constant 0 : i32
        %ne3A_290 = arith.cmpi ne, %rem3A_288, %ne3A_289 : i32
        %lt3A_291 = arith.constant 0 : i32
        %lt3A_292 = arith.cmpi slt, %rem3A_288, %lt3A_291 : i32
        %lt3A_293 = arith.constant 0 : i32
        %lt3A_294 = arith.cmpi slt, %select_n3A_287, %lt3A_293 : i32
        %ne3A_295 = arith.xori %lt3A_292, %lt3A_294 : i1
        %and3A_296 = arith.andi %ne3A_295, %ne3A_290 : i1
        %add3A_297 = arith.addi %rem3A_288, %select_n3A_287 : i32
        %select_n3A_298 = arith.select %and3A_296, %add3A_297, %rem3A_288 : i32
        %mul3A_299 = arith.constant 4 : i32
        %mul3A_300 = arith.muli %add3A, %mul3A_299 : i32
        %add3A_301 = arith.addi %mul3A_300, %select_n3A_298 : i32
        %dma_wait3A_302 = arith.constant 0 : i32
        %dma_wait3A_303 = arith.constant 0 : i32
        %dma_wait3A_304 = arith.constant 0 : i32
        %dma_wait3A_305 = tpu.memref_slice %arg7[%and3A_74, %dma_wait3A_302, %dma_wait3A_303, %dma_wait3A_304] : memref<4x4x8x128xf32, #tpu.memory_space<vmem>> -> memref<1x4x8x128xf32, #tpu.memory_space<vmem>>
        %dma_wait3A_306 = tpu.memref_squeeze %dma_wait3A_305 : memref<1x4x8x128xf32, #tpu.memory_space<vmem>> -> memref<4x8x128xf32, #tpu.memory_space<vmem>>
        %dma_wait3A_307 = arith.constant 0 : i32
        %dma_wait3A_308 = arith.constant 0 : i32
        %dma_wait3A_309 = arith.constant 0 : i32
        %dma_wait3A_310 = tpu.memref_slice %arg4[%select_n3A_282, %dma_wait3A_307, %add3A_301, %dma_wait3A_308, %dma_wait3A_309] : memref<26x4x128x8x128xf32, #tpu.memory_space<hbm>> -> memref<1x4x1x8x128xf32, #tpu.memory_space<hbm>>
        %dma_wait3A_311 = tpu.memref_squeeze %dma_wait3A_310 : memref<1x4x1x8x128xf32, #tpu.memory_space<hbm>> -> memref<4x8x128xf32, #tpu.memory_space<hbm>>
        %dma_wait3A_312 = tpu.memref_slice %arg9[%and3A_74] : memref<4x!tpu.dma_semaphore, #tpu.memory_space<semaphore_mem>> -> memref<1x!tpu.dma_semaphore, #tpu.memory_space<semaphore_mem>>
        %dma_wait3A_313 = tpu.memref_squeeze %dma_wait3A_312 : memref<1x!tpu.dma_semaphore, #tpu.memory_space<semaphore_mem>> -> memref<!tpu.dma_semaphore, #tpu.memory_space<semaphore_mem>>
        %dma_wait3A_314 = arith.constant 0 : i32
        %dma_wait3A_315 = arith.constant 0 : i32
        %dma_wait3A_316 = arith.constant 0 : i32
        %dma_wait3A_317 = tpu.memref_slice %arg7[%and3A_74, %dma_wait3A_314, %dma_wait3A_315, %dma_wait3A_316] : memref<4x4x8x128xf32, #tpu.memory_space<vmem>> -> memref<1x4x8x128xf32, #tpu.memory_space<vmem>>
        %dma_wait3A_318 = tpu.memref_squeeze %dma_wait3A_317 : memref<1x4x8x128xf32, #tpu.memory_space<vmem>> -> memref<4x8x128xf32, #tpu.memory_space<vmem>>
        %dma_wait3A_319 = arith.constant 0 : i32
        %dma_wait3A_320 = arith.constant 0 : i32
        %dma_wait3A_321 = arith.constant 0 : i32
        %dma_wait3A_322 = tpu.memref_slice %arg4[%select_n3A_282, %dma_wait3A_319, %add3A_301, %dma_wait3A_320, %dma_wait3A_321] : memref<26x4x128x8x128xf32, #tpu.memory_space<hbm>> -> memref<1x4x1x8x128xf32, #tpu.memory_space<hbm>>
        %dma_wait3A_323 = tpu.memref_squeeze %dma_wait3A_322 : memref<1x4x1x8x128xf32, #tpu.memory_space<hbm>> -> memref<4x8x128xf32, #tpu.memory_space<hbm>>
        tpu.wait_dma2 semaphore(%dma_wait3A_313 : memref<!tpu.dma_semaphore, #tpu.memory_space<semaphore_mem>>) src(%dma_wait3A_323 : memref<4x8x128xf32, #tpu.memory_space<hbm>>) dst(%dma_wait3A_318 : memref<4x8x128xf32, #tpu.memory_space<vmem>>)
      } else {
      }
      %iota3A = tpu.iota {dimensions = array<i32: 0>} : vector<16xi32>
      %add3A_160 = arith.constant 0 : i32
      %add3A_161 = vector.broadcast %add3A_160 : i32 to vector<16xi32>
      %add3A_162 = arith.addi %iota3A, %add3A_161 : vector<16xi32>
      %add3A_163 = arith.constant 16 : i32
      %add3A_164 = vector.broadcast %add3A_163 : i32 to vector<16xi32>
      %add3A_165 = arith.addi %iota3A, %add3A_164 : vector<16xi32>
      %add3A_166 = arith.constant 32 : i32
      %add3A_167 = vector.broadcast %add3A_166 : i32 to vector<16xi32>
      %add3A_168 = arith.addi %iota3A, %add3A_167 : vector<16xi32>
      %add3A_169 = arith.constant 48 : i32
      %add3A_170 = vector.broadcast %add3A_169 : i32 to vector<16xi32>
      %add3A_171 = arith.addi %iota3A, %add3A_170 : vector<16xi32>
      %add3A_172 = arith.constant 64 : i32
      %add3A_173 = vector.broadcast %add3A_172 : i32 to vector<16xi32>
      %add3A_174 = arith.addi %iota3A, %add3A_173 : vector<16xi32>
      %add3A_175 = arith.constant 80 : i32
      %add3A_176 = vector.broadcast %add3A_175 : i32 to vector<16xi32>
      %add3A_177 = arith.addi %iota3A, %add3A_176 : vector<16xi32>
      %add3A_178 = arith.constant 96 : i32
      %add3A_179 = vector.broadcast %add3A_178 : i32 to vector<16xi32>
      %add3A_180 = arith.addi %iota3A, %add3A_179 : vector<16xi32>
      %add3A_181 = arith.constant 112 : i32
      %add3A_182 = vector.broadcast %add3A_181 : i32 to vector<16xi32>
      %add3A_183 = arith.addi %iota3A, %add3A_182 : vector<16xi32>
      %broadcast_in_dim3A = arith.constant 0 : i32
      %broadcast_in_dim3A_184 = vector.broadcast %broadcast_in_dim3A : i32 to vector<16xi32>
      %parallel_loop3A = arith.constant 0 : i32
      %parallel_loop3A_185 = arith.constant 32 : i32
      %parallel_loop3A_186 = arith.constant 1 : i32
      scf.for %parallel_loop3A_259 = %parallel_loop3A to %parallel_loop3A_185 step %parallel_loop3A_186  : i32 {
        %parallel_loop3A_260 = arith.constant 3 : i32
        %parallel_loop3A_261 = arith.shrsi %parallel_loop3A_259, %parallel_loop3A_260 : i32
        %parallel_loop3A_262 = arith.constant 7 : i32
        %parallel_loop3A_263 = arith.andi %parallel_loop3A_259, %parallel_loop3A_262 : i32
        %parallel_loop3A_264 = vector.broadcast %parallel_loop3A_259 : i32 to vector<16xi32>
        %parallel_loop3A_265 = arith.addi %broadcast_in_dim3A_184, %parallel_loop3A_264 : vector<16xi32>
        %parallel_loop3A_266 = arith.constant 0 : i32
        %parallel_loop3A_267 = arith.constant 0 : i32
        %parallel_loop3A_268 = tpu.memref_slice %arg6[%and3A_74, %parallel_loop3A_266, %parallel_loop3A_267] : memref<4x128x32xf32, #tpu.memory_space<vmem>> -> memref<1x128x32xf32, #tpu.memory_space<vmem>>
        %parallel_loop3A_269 = tpu.memref_squeeze %parallel_loop3A_268 : memref<1x128x32xf32, #tpu.memory_space<vmem>> -> memref<128x32xf32, #tpu.memory_space<vmem>>
        %parallel_loop3A_270 = tpu.vector_load_idx %parallel_loop3A_269[%add3A_162, %parallel_loop3A_265] : memref<128x32xf32, #tpu.memory_space<vmem>>[vector<16xi32>, vector<16xi32>], vector<16xf32>,
        %parallel_loop3A_271 = arith.index_cast %and3A_74 : i32 to index
        %parallel_loop3A_272 = arith.index_cast %parallel_loop3A_261 : i32 to index
        %parallel_loop3A_273 = arith.index_cast %parallel_loop3A_263 : i32 to index
        %parallel_loop3A_274 = arith.constant 0 : index
        %parallel_loop3A_275 = tpu.vector_load %arg7[%parallel_loop3A_271, %parallel_loop3A_272, %parallel_loop3A_273, %parallel_loop3A_274] {strides = array<i32>} : memref<4x4x8x128xf32, #tpu.memory_space<vmem>>, vector<16xf32>,
        tpu.vector_store %arg7[%parallel_loop3A_271, %parallel_loop3A_272, %parallel_loop3A_273, %parallel_loop3A_274], %parallel_loop3A_270 {strides = array<i32>} : memref<4x4x8x128xf32, #tpu.memory_space<vmem>>, vector<16xf32>,
        %parallel_loop3A_276 = arith.constant 0 : i32
        %parallel_loop3A_277 = arith.constant 0 : i32
        %parallel_loop3A_278 = tpu.memref_slice %arg6[%and3A_74, %parallel_loop3A_276, %parallel_loop3A_277] : memref<4x128x32xf32, #tpu.memory_space<vmem>> -> memref<1x128x32xf32, #tpu.memory_space<vmem>>
        %parallel_loop3A_279 = tpu.memref_squeeze %parallel_loop3A_278 : memref<1x128x32xf32, #tpu.memory_space<vmem>> -> memref<128x32xf32, #tpu.memory_space<vmem>>
        %parallel_loop3A_280 = tpu.vector_load_idx %parallel_loop3A_279[%add3A_165, %parallel_loop3A_265] : memref<128x32xf32, #tpu.memory_space<vmem>>[vector<16xi32>, vector<16xi32>], vector<16xf32>,
        %parallel_loop3A_281 = arith.index_cast %and3A_74 : i32 to index
        %parallel_loop3A_282 = arith.index_cast %parallel_loop3A_261 : i32 to index
        %parallel_loop3A_283 = arith.index_cast %parallel_loop3A_263 : i32 to index
        %parallel_loop3A_284 = arith.constant 16 : index
        %parallel_loop3A_285 = tpu.vector_load %arg7[%parallel_loop3A_281, %parallel_loop3A_282, %parallel_loop3A_283, %parallel_loop3A_284] {strides = array<i32>} : memref<4x4x8x128xf32, #tpu.memory_space<vmem>>, vector<16xf32>,
        tpu.vector_store %arg7[%parallel_loop3A_281, %parallel_loop3A_282, %parallel_loop3A_283, %parallel_loop3A_284], %parallel_loop3A_280 {strides = array<i32>} : memref<4x4x8x128xf32, #tpu.memory_space<vmem>>, vector<16xf32>,
        %parallel_loop3A_286 = arith.constant 0 : i32
        %parallel_loop3A_287 = arith.constant 0 : i32
        %parallel_loop3A_288 = tpu.memref_slice %arg6[%and3A_74, %parallel_loop3A_286, %parallel_loop3A_287] : memref<4x128x32xf32, #tpu.memory_space<vmem>> -> memref<1x128x32xf32, #tpu.memory_space<vmem>>
        %parallel_loop3A_289 = tpu.memref_squeeze %parallel_loop3A_288 : memref<1x128x32xf32, #tpu.memory_space<vmem>> -> memref<128x32xf32, #tpu.memory_space<vmem>>
        %parallel_loop3A_290 = tpu.vector_load_idx %parallel_loop3A_289[%add3A_168, %parallel_loop3A_265] : memref<128x32xf32, #tpu.memory_space<vmem>>[vector<16xi32>, vector<16xi32>], vector<16xf32>,
        %parallel_loop3A_291 = arith.index_cast %and3A_74 : i32 to index
        %parallel_loop3A_292 = arith.index_cast %parallel_loop3A_261 : i32 to index
        %parallel_loop3A_293 = arith.index_cast %parallel_loop3A_263 : i32 to index
        %parallel_loop3A_294 = arith.constant 32 : index
        %parallel_loop3A_295 = tpu.vector_load %arg7[%parallel_loop3A_291, %parallel_loop3A_292, %parallel_loop3A_293, %parallel_loop3A_294] {strides = array<i32>} : memref<4x4x8x128xf32, #tpu.memory_space<vmem>>, vector<16xf32>,
        tpu.vector_store %arg7[%parallel_loop3A_291, %parallel_loop3A_292, %parallel_loop3A_293, %parallel_loop3A_294], %parallel_loop3A_290 {strides = array<i32>} : memref<4x4x8x128xf32, #tpu.memory_space<vmem>>, vector<16xf32>,
        %parallel_loop3A_296 = arith.constant 0 : i32
        %parallel_loop3A_297 = arith.constant 0 : i32
        %parallel_loop3A_298 = tpu.memref_slice %arg6[%and3A_74, %parallel_loop3A_296, %parallel_loop3A_297] : memref<4x128x32xf32, #tpu.memory_space<vmem>> -> memref<1x128x32xf32, #tpu.memory_space<vmem>>
        %parallel_loop3A_299 = tpu.memref_squeeze %parallel_loop3A_298 : memref<1x128x32xf32, #tpu.memory_space<vmem>> -> memref<128x32xf32, #tpu.memory_space<vmem>>
        %parallel_loop3A_300 = tpu.vector_load_idx %parallel_loop3A_299[%add3A_171, %parallel_loop3A_265] : memref<128x32xf32, #tpu.memory_space<vmem>>[vector<16xi32>, vector<16xi32>], vector<16xf32>,
        %parallel_loop3A_301 = arith.index_cast %and3A_74 : i32 to index
        %parallel_loop3A_302 = arith.index_cast %parallel_loop3A_261 : i32 to index
        %parallel_loop3A_303 = arith.index_cast %parallel_loop3A_263 : i32 to index
        %parallel_loop3A_304 = arith.constant 48 : index
        %parallel_loop3A_305 = tpu.vector_load %arg7[%parallel_loop3A_301, %parallel_loop3A_302, %parallel_loop3A_303, %parallel_loop3A_304] {strides = array<i32>} : memref<4x4x8x128xf32, #tpu.memory_space<vmem>>, vector<16xf32>,
        tpu.vector_store %arg7[%parallel_loop3A_301, %parallel_loop3A_302, %parallel_loop3A_303, %parallel_loop3A_304], %parallel_loop3A_300 {strides = array<i32>} : memref<4x4x8x128xf32, #tpu.memory_space<vmem>>, vector<16xf32>,
        %parallel_loop3A_306 = arith.constant 0 : i32
        %parallel_loop3A_307 = arith.constant 0 : i32
        %parallel_loop3A_308 = tpu.memref_slice %arg6[%and3A_74, %parallel_loop3A_306, %parallel_loop3A_307] : memref<4x128x32xf32, #tpu.memory_space<vmem>> -> memref<1x128x32xf32, #tpu.memory_space<vmem>>
        %parallel_loop3A_309 = tpu.memref_squeeze %parallel_loop3A_308 : memref<1x128x32xf32, #tpu.memory_space<vmem>> -> memref<128x32xf32, #tpu.memory_space<vmem>>
        %parallel_loop3A_310 = tpu.vector_load_idx %parallel_loop3A_309[%add3A_174, %parallel_loop3A_265] : memref<128x32xf32, #tpu.memory_space<vmem>>[vector<16xi32>, vector<16xi32>], vector<16xf32>,
        %parallel_loop3A_311 = arith.index_cast %and3A_74 : i32 to index
        %parallel_loop3A_312 = arith.index_cast %parallel_loop3A_261 : i32 to index
        %parallel_loop3A_313 = arith.index_cast %parallel_loop3A_263 : i32 to index
        %parallel_loop3A_314 = arith.constant 64 : index
        %parallel_loop3A_315 = tpu.vector_load %arg7[%parallel_loop3A_311, %parallel_loop3A_312, %parallel_loop3A_313, %parallel_loop3A_314] {strides = array<i32>} : memref<4x4x8x128xf32, #tpu.memory_space<vmem>>, vector<16xf32>,
        tpu.vector_store %arg7[%parallel_loop3A_311, %parallel_loop3A_312, %parallel_loop3A_313, %parallel_loop3A_314], %parallel_loop3A_310 {strides = array<i32>} : memref<4x4x8x128xf32, #tpu.memory_space<vmem>>, vector<16xf32>,
        %parallel_loop3A_316 = arith.constant 0 : i32
        %parallel_loop3A_317 = arith.constant 0 : i32
        %parallel_loop3A_318 = tpu.memref_slice %arg6[%and3A_74, %parallel_loop3A_316, %parallel_loop3A_317] : memref<4x128x32xf32, #tpu.memory_space<vmem>> -> memref<1x128x32xf32, #tpu.memory_space<vmem>>
        %parallel_loop3A_319 = tpu.memref_squeeze %parallel_loop3A_318 : memref<1x128x32xf32, #tpu.memory_space<vmem>> -> memref<128x32xf32, #tpu.memory_space<vmem>>
        %parallel_loop3A_320 = tpu.vector_load_idx %parallel_loop3A_319[%add3A_177, %parallel_loop3A_265] : memref<128x32xf32, #tpu.memory_space<vmem>>[vector<16xi32>, vector<16xi32>], vector<16xf32>,
        %parallel_loop3A_321 = arith.index_cast %and3A_74 : i32 to index
        %parallel_loop3A_322 = arith.index_cast %parallel_loop3A_261 : i32 to index
        %parallel_loop3A_323 = arith.index_cast %parallel_loop3A_263 : i32 to index
        %parallel_loop3A_324 = arith.constant 80 : index
        %parallel_loop3A_325 = tpu.vector_load %arg7[%parallel_loop3A_321, %parallel_loop3A_322, %parallel_loop3A_323, %parallel_loop3A_324] {strides = array<i32>} : memref<4x4x8x128xf32, #tpu.memory_space<vmem>>, vector<16xf32>,
        tpu.vector_store %arg7[%parallel_loop3A_321, %parallel_loop3A_322, %parallel_loop3A_323, %parallel_loop3A_324], %parallel_loop3A_320 {strides = array<i32>} : memref<4x4x8x128xf32, #tpu.memory_space<vmem>>, vector<16xf32>,
        %parallel_loop3A_326 = arith.constant 0 : i32
        %parallel_loop3A_327 = arith.constant 0 : i32
        %parallel_loop3A_328 = tpu.memref_slice %arg6[%and3A_74, %parallel_loop3A_326, %parallel_loop3A_327] : memref<4x128x32xf32, #tpu.memory_space<vmem>> -> memref<1x128x32xf32, #tpu.memory_space<vmem>>
        %parallel_loop3A_329 = tpu.memref_squeeze %parallel_loop3A_328 : memref<1x128x32xf32, #tpu.memory_space<vmem>> -> memref<128x32xf32, #tpu.memory_space<vmem>>
        %parallel_loop3A_330 = tpu.vector_load_idx %parallel_loop3A_329[%add3A_180, %parallel_loop3A_265] : memref<128x32xf32, #tpu.memory_space<vmem>>[vector<16xi32>, vector<16xi32>], vector<16xf32>,
        %parallel_loop3A_331 = arith.index_cast %and3A_74 : i32 to index
        %parallel_loop3A_332 = arith.index_cast %parallel_loop3A_261 : i32 to index
        %parallel_loop3A_333 = arith.index_cast %parallel_loop3A_263 : i32 to index
        %parallel_loop3A_334 = arith.constant 96 : index
        %parallel_loop3A_335 = tpu.vector_load %arg7[%parallel_loop3A_331, %parallel_loop3A_332, %parallel_loop3A_333, %parallel_loop3A_334] {strides = array<i32>} : memref<4x4x8x128xf32, #tpu.memory_space<vmem>>, vector<16xf32>,
        tpu.vector_store %arg7[%parallel_loop3A_331, %parallel_loop3A_332, %parallel_loop3A_333, %parallel_loop3A_334], %parallel_loop3A_330 {strides = array<i32>} : memref<4x4x8x128xf32, #tpu.memory_space<vmem>>, vector<16xf32>,
        %parallel_loop3A_336 = arith.constant 0 : i32
        %parallel_loop3A_337 = arith.constant 0 : i32
        %parallel_loop3A_338 = tpu.memref_slice %arg6[%and3A_74, %parallel_loop3A_336, %parallel_loop3A_337] : memref<4x128x32xf32, #tpu.memory_space<vmem>> -> memref<1x128x32xf32, #tpu.memory_space<vmem>>
        %parallel_loop3A_339 = tpu.memref_squeeze %parallel_loop3A_338 : memref<1x128x32xf32, #tpu.memory_space<vmem>> -> memref<128x32xf32, #tpu.memory_space<vmem>>
        %parallel_loop3A_340 = tpu.vector_load_idx %parallel_loop3A_339[%add3A_183, %parallel_loop3A_265] : memref<128x32xf32, #tpu.memory_space<vmem>>[vector<16xi32>, vector<16xi32>], vector<16xf32>,
        %parallel_loop3A_341 = arith.index_cast %and3A_74 : i32 to index
        %parallel_loop3A_342 = arith.index_cast %parallel_loop3A_261 : i32 to index
        %parallel_loop3A_343 = arith.index_cast %parallel_loop3A_263 : i32 to index
        %parallel_loop3A_344 = arith.constant 112 : index
        %parallel_loop3A_345 = tpu.vector_load %arg7[%parallel_loop3A_341, %parallel_loop3A_342, %parallel_loop3A_343, %parallel_loop3A_344] {strides = array<i32>} : memref<4x4x8x128xf32, #tpu.memory_space<vmem>>, vector<16xf32>,
        tpu.vector_store %arg7[%parallel_loop3A_341, %parallel_loop3A_342, %parallel_loop3A_343, %parallel_loop3A_344], %parallel_loop3A_340 {strides = array<i32>} : memref<4x4x8x128xf32, #tpu.memory_space<vmem>>, vector<16xf32>,
      } {sc.loop_unroll_factor = 4 : i64, sc.parallel_access}
      %jit3A_187 = arith.constant 4 : i32
      %div3A_188 = arith.divsi %scan3A_73, %jit3A_187 : i32
      %sign3A_189 = arith.constant 0 : i32
      %sign3A_190 = arith.cmpi sgt, %scan3A_73, %sign3A_189 : i32
      %sign3A_191 = arith.extui %sign3A_190 : i1 to i32
      %sign3A_192 = arith.constant 0 : i32
      %sign3A_193 = arith.cmpi slt, %scan3A_73, %sign3A_192 : i32
      %sign3A_194 = arith.extui %sign3A_193 : i1 to i32
      %sign3A_195 = arith.subi %sign3A_191, %sign3A_194 : i32
      %sign3A_196 = arith.constant 0 : i32
      %sign3A_197 = arith.cmpi sgt, %jit3A_187, %sign3A_196 : i32
      %sign3A_198 = arith.extui %sign3A_197 : i1 to i32
      %sign3A_199 = arith.constant 0 : i32
      %sign3A_200 = arith.cmpi slt, %jit3A_187, %sign3A_199 : i32
      %sign3A_201 = arith.extui %sign3A_200 : i1 to i32
      %sign3A_202 = arith.subi %sign3A_198, %sign3A_201 : i32
      %ne3A_203 = arith.cmpi ne, %sign3A_195, %sign3A_202 : i32
      %rem3A_204 = arith.remsi %scan3A_73, %jit3A_187 : i32
      %ne3A_205 = arith.constant 0 : i32
      %ne3A_206 = arith.cmpi ne, %rem3A_204, %ne3A_205 : i32
      %and3A_207 = arith.andi %ne3A_203, %ne3A_206 : i1
      %sub3A_208 = arith.constant 1 : i32
      %sub3A_209 = arith.subi %div3A_188, %sub3A_208 : i32
      %select_n3A_210 = arith.select %and3A_207, %sub3A_209, %div3A_188 : i32
      %jit3A_211 = arith.constant 4 : i32
      %eq3A_212 = arith.constant 0 : i32
      %eq3A_213 = arith.cmpi eq, %jit3A_211, %eq3A_212 : i32
      %jit3A_214 = arith.constant 1 : i32
      %select_n3A_215 = arith.select %eq3A_213, %jit3A_214, %jit3A_211 : i32
      %rem3A_216 = arith.remsi %scan3A_73, %select_n3A_215 : i32
      %ne3A_217 = arith.constant 0 : i32
      %ne3A_218 = arith.cmpi ne, %rem3A_216, %ne3A_217 : i32
      %lt3A_219 = arith.constant 0 : i32
      %lt3A_220 = arith.cmpi slt, %rem3A_216, %lt3A_219 : i32
      %lt3A_221 = arith.constant 0 : i32
      %lt3A_222 = arith.cmpi slt, %select_n3A_215, %lt3A_221 : i32
      %ne3A_223 = arith.xori %lt3A_220, %lt3A_222 : i1
      %and3A_224 = arith.andi %ne3A_223, %ne3A_218 : i1
      %add3A_225 = arith.addi %rem3A_216, %select_n3A_215 : i32
      %select_n3A_226 = arith.select %and3A_224, %add3A_225, %rem3A_216 : i32
      %mul3A_227 = arith.constant 4 : i32
      %mul3A_228 = arith.muli %add3A, %mul3A_227 : i32
      %add3A_229 = arith.addi %mul3A_228, %select_n3A_226 : i32
      %dma_start3A_230 = arith.constant 0 : i32
      %dma_start3A_231 = arith.constant 0 : i32
      %dma_start3A_232 = arith.constant 0 : i32
      %dma_start3A_233 = tpu.memref_slice %arg7[%and3A_74, %dma_start3A_230, %dma_start3A_231, %dma_start3A_232] : memref<4x4x8x128xf32, #tpu.memory_space<vmem>> -> memref<1x4x8x128xf32, #tpu.memory_space<vmem>>
      %dma_start3A_234 = tpu.memref_squeeze %dma_start3A_233 : memref<1x4x8x128xf32, #tpu.memory_space<vmem>> -> memref<4x8x128xf32, #tpu.memory_space<vmem>>
      %dma_start3A_235 = arith.constant 0 : i32
      %dma_start3A_236 = arith.constant 0 : i32
      %dma_start3A_237 = arith.constant 0 : i32
      %dma_start3A_238 = tpu.memref_slice %arg4[%select_n3A_210, %dma_start3A_235, %add3A_229, %dma_start3A_236, %dma_start3A_237] : memref<26x4x128x8x128xf32, #tpu.memory_space<hbm>> -> memref<1x4x1x8x128xf32, #tpu.memory_space<hbm>>
      %dma_start3A_239 = tpu.memref_squeeze %dma_start3A_238 : memref<1x4x1x8x128xf32, #tpu.memory_space<hbm>> -> memref<4x8x128xf32, #tpu.memory_space<hbm>>
      %dma_start3A_240 = tpu.memref_slice %arg9[%and3A_74] : memref<4x!tpu.dma_semaphore, #tpu.memory_space<semaphore_mem>> -> memref<1x!tpu.dma_semaphore, #tpu.memory_space<semaphore_mem>>
      %dma_start3A_241 = tpu.memref_squeeze %dma_start3A_240 : memref<1x!tpu.dma_semaphore, #tpu.memory_space<semaphore_mem>> -> memref<!tpu.dma_semaphore, #tpu.memory_space<semaphore_mem>>
      %dma_start3A_242 = arith.constant 0 : i32
      %dma_start3A_243 = arith.constant 0 : i32
      %dma_start3A_244 = arith.constant 0 : i32
      %dma_start3A_245 = tpu.memref_slice %arg4[%select_n3A_210, %dma_start3A_242, %add3A_229, %dma_start3A_243, %dma_start3A_244] : memref<26x4x128x8x128xf32, #tpu.memory_space<hbm>> -> memref<1x4x1x8x128xf32, #tpu.memory_space<hbm>>
      %dma_start3A_246 = tpu.memref_squeeze %dma_start3A_245 : memref<1x4x1x8x128xf32, #tpu.memory_space<hbm>> -> memref<4x8x128xf32, #tpu.memory_space<hbm>>
      %dma_start3A_247 = arith.constant 0 : i32
      %dma_start3A_248 = arith.constant 0 : i32
      %dma_start3A_249 = arith.constant 0 : i32
      %dma_start3A_250 = tpu.memref_slice %arg7[%and3A_74, %dma_start3A_247, %dma_start3A_248, %dma_start3A_249] : memref<4x4x8x128xf32, #tpu.memory_space<vmem>> -> memref<1x4x8x128xf32, #tpu.memory_space<vmem>>
      %dma_start3A_251 = tpu.memref_squeeze %dma_start3A_250 : memref<1x4x8x128xf32, #tpu.memory_space<vmem>> -> memref<4x8x128xf32, #tpu.memory_space<vmem>>
      tpu.enqueue_dma source(%dma_start3A_251 : memref<4x8x128xf32, #tpu.memory_space<vmem>>) target(%dma_start3A_246 : memref<4x8x128xf32, #tpu.memory_space<hbm>>) target_semaphore(%dma_start3A_241 : memref<!tpu.dma_semaphore, #tpu.memory_space<semaphore_mem>>)
      %add3A_252 = arith.constant 4 : i32
      %add3A_253 = arith.addi %scan3A_73, %add3A_252 : i32
      %lt3A_254 = arith.constant 104 : i32
      %lt3A_255 = arith.cmpi slt, %add3A_253, %lt3A_254 : i32
      %convert_element_type3A_256 = arith.extui %lt3A_255 : i1 to i32
      %cond3A_257 = arith.constant 0 : i32
      %cond3A_258 = arith.cmpi ne, %convert_element_type3A_256, %cond3A_257 : i32
      scf.if %cond3A_258 {
        %add3A_259 = arith.constant 4 : i32
        %add3A_260 = arith.addi %scan3A_73, %add3A_259 : i32
        %jit3A_261 = arith.constant 4 : i32
        %div3A_262 = arith.divsi %add3A_260, %jit3A_261 : i32
        %sign3A_263 = arith.constant 0 : i32
        %sign3A_264 = arith.cmpi sgt, %add3A_260, %sign3A_263 : i32
        %sign3A_265 = arith.extui %sign3A_264 : i1 to i32
        %sign3A_266 = arith.constant 0 : i32
        %sign3A_267 = arith.cmpi slt, %add3A_260, %sign3A_266 : i32
        %sign3A_268 = arith.extui %sign3A_267 : i1 to i32
        %sign3A_269 = arith.subi %sign3A_265, %sign3A_268 : i32
        %sign3A_270 = arith.constant 0 : i32
        %sign3A_271 = arith.cmpi sgt, %jit3A_261, %sign3A_270 : i32
        %sign3A_272 = arith.extui %sign3A_271 : i1 to i32
        %sign3A_273 = arith.constant 0 : i32
        %sign3A_274 = arith.cmpi slt, %jit3A_261, %sign3A_273 : i32
        %sign3A_275 = arith.extui %sign3A_274 : i1 to i32
        %sign3A_276 = arith.subi %sign3A_272, %sign3A_275 : i32
        %ne3A_277 = arith.cmpi ne, %sign3A_269, %sign3A_276 : i32
        %rem3A_278 = arith.remsi %add3A_260, %jit3A_261 : i32
        %ne3A_279 = arith.constant 0 : i32
        %ne3A_280 = arith.cmpi ne, %rem3A_278, %ne3A_279 : i32
        %and3A_281 = arith.andi %ne3A_277, %ne3A_280 : i1
        %sub3A_282 = arith.constant 1 : i32
        %sub3A_283 = arith.subi %div3A_262, %sub3A_282 : i32
        %select_n3A_284 = arith.select %and3A_281, %sub3A_283, %div3A_262 : i32
        %jit3A_285 = arith.constant 4 : i32
        %eq3A_286 = arith.constant 0 : i32
        %eq3A_287 = arith.cmpi eq, %jit3A_285, %eq3A_286 : i32
        %jit3A_288 = arith.constant 1 : i32
        %select_n3A_289 = arith.select %eq3A_287, %jit3A_288, %jit3A_285 : i32
        %rem3A_290 = arith.remsi %add3A_260, %select_n3A_289 : i32
        %ne3A_291 = arith.constant 0 : i32
        %ne3A_292 = arith.cmpi ne, %rem3A_290, %ne3A_291 : i32
        %lt3A_293 = arith.constant 0 : i32
        %lt3A_294 = arith.cmpi slt, %rem3A_290, %lt3A_293 : i32
        %lt3A_295 = arith.constant 0 : i32
        %lt3A_296 = arith.cmpi slt, %select_n3A_289, %lt3A_295 : i32
        %ne3A_297 = arith.xori %lt3A_294, %lt3A_296 : i1
        %and3A_298 = arith.andi %ne3A_297, %ne3A_292 : i1
        %add3A_299 = arith.addi %rem3A_290, %select_n3A_289 : i32
        %select_n3A_300 = arith.select %and3A_298, %add3A_299, %rem3A_290 : i32
        %mul3A_301 = arith.constant 128 : i32
        %mul3A_302 = arith.muli %select_n3A_300, %mul3A_301 : i32
        %dma_start3A_303 = arith.constant 0 : i32
        %dma_start3A_304 = arith.constant 0 : i32
        %dma_start3A_305 = tpu.memref_slice %arg6[%and3A_74, %dma_start3A_303, %dma_start3A_304] : memref<4x128x32xf32, #tpu.memory_space<vmem>> -> memref<1x128x32xf32, #tpu.memory_space<vmem>>
        %dma_start3A_306 = tpu.memref_squeeze %dma_start3A_305 : memref<1x128x32xf32, #tpu.memory_space<vmem>> -> memref<128x32xf32, #tpu.memory_space<vmem>>
        %dma_start3A_307 = tpu.memref_slice %arg5[%select_n3A_284, %mul3A_302] : memref<26x512xi32, #tpu.memory_space<vmem>> -> memref<1x128xi32, #tpu.memory_space<vmem>>
        %dma_start3A_308 = tpu.memref_squeeze %dma_start3A_307 : memref<1x128xi32, #tpu.memory_space<vmem>> -> memref<128xi32, #tpu.memory_space<vmem>>
        %dma_start3A_309 = arith.constant 0 : i32
        %dma_start3A_310 = arith.constant 0 : i32
        %dma_start3A_311 = tpu.memref_slice %arg2[%dma_start3A_309, %dma_start3A_310] : memref<1000000x32xf32, #tpu.memory_space<hbm>> -> memref<1000000x32xf32, #tpu.memory_space<hbm>>
        %dma_start3A_312 = tpu.memref_slice %arg8[%and3A_74] : memref<4x!tpu.dma_semaphore, #tpu.memory_space<semaphore_mem>> -> memref<1x!tpu.dma_semaphore, #tpu.memory_space<semaphore_mem>>
        %dma_start3A_313 = tpu.memref_squeeze %dma_start3A_312 : memref<1x!tpu.dma_semaphore, #tpu.memory_space<semaphore_mem>> -> memref<!tpu.dma_semaphore, #tpu.memory_space<semaphore_mem>>
        tpu.enqueue_indirect_dma source(%dma_start3A_311 : memref<1000000x32xf32, #tpu.memory_space<hbm>>) target(%dma_start3A_306 : memref<128x32xf32, #tpu.memory_space<vmem>>) offsets(%dma_start3A_308 : memref<128xi32, #tpu.memory_space<vmem>>) semaphore(%dma_start3A_313 : memref<!tpu.dma_semaphore, #tpu.memory_space<semaphore_mem>>)
      } else {
      }
    }
    %scan3A_66 = arith.constant 104 : i32
    %scan3A_67 = arith.constant 0 : i32
    %scan3A_68 = arith.constant 0 : i32
    %scan3A_69 = arith.constant 4 : i32
    %scan3A_70 = arith.addi %scan3A_68, %scan3A_69 : i32
    %scan3A_71 = arith.constant 1 : i32
    scf.for %scan3A_73 = %scan3A_68 to %scan3A_70 step %scan3A_71  : i32 {
      %mul3A_74 = arith.constant 4 : i32
      %mul3A_75 = arith.muli %add3A, %mul3A_74 : i32
      %add3A_76 = arith.constant 0 : i32
      %add3A_77 = arith.addi %mul3A_75, %add3A_76 : i32
      %dma_wait3A = arith.constant 0 : i32
      %dma_wait3A_78 = arith.constant 0 : i32
      %dma_wait3A_79 = arith.constant 0 : i32
      %dma_wait3A_80 = arith.constant 0 : i32
      %dma_wait3A_81 = tpu.memref_slice %arg7[%scan3A_73, %dma_wait3A_78, %dma_wait3A_79, %dma_wait3A_80] : memref<4x4x8x128xf32, #tpu.memory_space<vmem>> -> memref<1x4x8x128xf32, #tpu.memory_space<vmem>>
      %dma_wait3A_82 = tpu.memref_squeeze %dma_wait3A_81 : memref<1x4x8x128xf32, #tpu.memory_space<vmem>> -> memref<4x8x128xf32, #tpu.memory_space<vmem>>
      %dma_wait3A_83 = arith.constant 0 : i32
      %dma_wait3A_84 = arith.constant 0 : i32
      %dma_wait3A_85 = arith.constant 0 : i32
      %dma_wait3A_86 = tpu.memref_slice %arg4[%dma_wait3A, %dma_wait3A_83, %add3A_77, %dma_wait3A_84, %dma_wait3A_85] : memref<26x4x128x8x128xf32, #tpu.memory_space<hbm>> -> memref<1x4x1x8x128xf32, #tpu.memory_space<hbm>>
      %dma_wait3A_87 = tpu.memref_squeeze %dma_wait3A_86 : memref<1x4x1x8x128xf32, #tpu.memory_space<hbm>> -> memref<4x8x128xf32, #tpu.memory_space<hbm>>
      %dma_wait3A_88 = tpu.memref_slice %arg9[%scan3A_73] : memref<4x!tpu.dma_semaphore, #tpu.memory_space<semaphore_mem>> -> memref<1x!tpu.dma_semaphore, #tpu.memory_space<semaphore_mem>>
      %dma_wait3A_89 = tpu.memref_squeeze %dma_wait3A_88 : memref<1x!tpu.dma_semaphore, #tpu.memory_space<semaphore_mem>> -> memref<!tpu.dma_semaphore, #tpu.memory_space<semaphore_mem>>
      %dma_wait3A_90 = arith.constant 0 : i32
      %dma_wait3A_91 = arith.constant 0 : i32
      %dma_wait3A_92 = arith.constant 0 : i32
      %dma_wait3A_93 = tpu.memref_slice %arg7[%scan3A_73, %dma_wait3A_90, %dma_wait3A_91, %dma_wait3A_92] : memref<4x4x8x128xf32, #tpu.memory_space<vmem>> -> memref<1x4x8x128xf32, #tpu.memory_space<vmem>>
      %dma_wait3A_94 = tpu.memref_squeeze %dma_wait3A_93 : memref<1x4x8x128xf32, #tpu.memory_space<vmem>> -> memref<4x8x128xf32, #tpu.memory_space<vmem>>
      %dma_wait3A_95 = arith.constant 0 : i32
      %dma_wait3A_96 = arith.constant 0 : i32
      %dma_wait3A_97 = arith.constant 0 : i32
      %dma_wait3A_98 = tpu.memref_slice %arg4[%dma_wait3A, %dma_wait3A_95, %add3A_77, %dma_wait3A_96, %dma_wait3A_97] : memref<26x4x128x8x128xf32, #tpu.memory_space<hbm>> -> memref<1x4x1x8x128xf32, #tpu.memory_space<hbm>>
      %dma_wait3A_99 = tpu.memref_squeeze %dma_wait3A_98 : memref<1x4x1x8x128xf32, #tpu.memory_space<hbm>> -> memref<4x8x128xf32, #tpu.memory_space<hbm>>
      tpu.wait_dma2 semaphore(%dma_wait3A_89 : memref<!tpu.dma_semaphore, #tpu.memory_space<semaphore_mem>>) src(%dma_wait3A_99 : memref<4x8x128xf32, #tpu.memory_space<hbm>>) dst(%dma_wait3A_94 : memref<4x8x128xf32, #tpu.memory_space<vmem>>)
    }
    %scan3A_72 = arith.constant 4 : i32
    return
  }
}

</mosaic_0001>

<sc_bundles>
// kernel: kernel.4.cloned.1.call-start
scs
__scs_entry_jumppad:
0x0: {  	(pc) =	sbr.rel $0x88, $3  }
0x1: {  	(tag) =	ssettag $0x0;
	lr =	simm.s32 $0x1  }
0x2: {  	[smem:$0x3F9F] =	sst lr;
	_ =	strace $0xD0000000  }
0x3: {  	_ = 	snop  }
0x4: {  	_ = 	snop  }
0x5: {  	_ = 	snop  }
0x6: {  	_ = 	snop  }
0x7: {  	_ = 	snop  }
__scs_overlays_trampoline_lowered:
0x8: {  	[smem:$0x3FAE] =	sst s0  }
0x9: {  	[smem:$0x3FAF] =	sst s1  }
0xa: {  	[smem:$0x3FB0] =	sst s2  }
0xb: {  	[smem:$0x3FB1] =	sst s3  }
0xc: {  	[smem:$0x3FB2] =	sst s4  }
0xd: {  	[smem:$0x3FB3] =	sst s5  }
0xe: {  	[smem:$0x3FB4] =	sst s6  }
0xf: {  	[smem:$0x3FB5] =	sst s7  }
0x10: {  	[smem:$0x3FB6] =	sst s8  }
0x11: {  	[smem:$0x3FB7] =	sst s9;
	s0 =	simm.s32 @!p0 $0x0  }
0x12: {  	s1 =	sld [smem:$0x3F9D];
	s0 =	simm.s32 @p0 $0x1  }
0x13: {  	[smem:$0x3FB8] =	sst s0;
	s0 =	simm.s32 @!p1 $0x0  }
0x14: {  	s2 =	sld [smem:$0x3F9C];
	s0 =	simm.s32 @p1 $0x1  }
0x15: {  	[smem:$0x3FB9] =	sst s0;
	s0 =	simm.s32 @!p2 $0x0  }
0x16: {  	s3 =	sld [smem:$0x3FDB];
	s0 =	simm.s32 @p2 $0x1  }
0x17: {  	s4 =	simm.s32 $0x1BF5;
	[smem:$0x3FBB] =	sst s0  }
0x18: {  	s0 =	sld [smem:$0x3F9E];
	_ =	swait.ge [sflag:s4], $0x0  }
0x19: {  	s7 =	sld [smem:$0x3F9F]  }
0x1a: {  	s8 =	sadd.s32 $0xFFFFE003, lr  }
0x1b: {  	s9 =	sadd.s32 $0xFFFFFEF7, lr;
	s5 =	simm.s32 $0xFFFFFFFF;
	p2 =	slt.u32 s8, $0xFFFFF086  }
0x1c: {  	p1 =	slt.u32 s9, $0xF7A;
	s5 =	simm.s32 @!p2 $0x0  }
0x1d: {  	s5 =	simm.s32 @p1 $0x1;
	p0 =	seq.s32 s7, s2  }
0x1e: {  	s7 =	smul.u32 @!p0 $0xF7A, s2;
	p2 =	seq.s32 @!p0 s5, $0x0  }
0x1f: {  	s9 =	smul.u32 $0xF7A, s1;
	s8 =	simm.s32 @!p0 $0x1BF5;
	p2 =	por !p2, p0  }
0x20: {  	[sflag:s8] =	ssyncset.s32 @!p0 $0xFFFFF086;
	s6 =	sadd.s32 @!p0 s3, s7;
	s7 =	simm.s32 @!p0 $0x108  }
0x21: {  	s3 =	sadd.s32 s3, s9;
	s6 =	sadd.s32 @!p0 $0x88, s6;
	s7 =	simm.s32 @p2 $0x1082  }
0x22: {  	[simem:s7], [sflag:s8] =	dma.local @!p0 [hbm:s6], $0xF7A  }
0x23: {  	s9 =	sor.u32 $0xD0000000, s2;
	s6 =	simm.s32 $0x108;
	_ =	swait.ge @!p0 [sflag:s8], $0x0  }
0x24: {  	s3 =	sadd.s32 $0x88, s3;
	s6 =	simm.s32 @!p1 $0x1082;
	[sflag:s4] =	ssyncset.s32 $0xFFFFF086  }
0x25: {  	[simem:s6], [sflag:s4] =	dma.local [hbm:s3], $0xF7A  }
0x26: {  	[smem:$0x3F9F] =	sst s1;
	(tag) =	ssettag s2;
	_ =	strace s9  }
0x27: {  	s1 =	sld [smem:$0x3FAF]  }
0x28: {  	s2 =	sld [smem:$0x3FB0]  }
0x29: {  	s4 =	sld [smem:$0x3FB2]  }
0x2a: {  	p0 =	seq.s32 s5, $0x0;
	s5 =	sld [smem:$0x3FB3]  }
0x2b: {  	s6 =	sld [smem:$0x3FB4]  }
0x2c: {  	s7 =	sld [smem:$0x3FB5]  }
0x2d: {  	s3 =	simm.s32 $0x108;
	s8 =	sld [smem:$0x3FB6]  }
0x2e: {  	s3 =	simm.s32 @!p0 $0x1082;
	s9 =	sld [smem:$0x3FB7]  }
0x2f: {  	lr =	sadd.s32 s0, s3;
	s0 =	sld [smem:$0x3FAE]  }
0x30: {  	s3 =	sld [smem:$0x3FB1]  }
0x31: {  	[smem:$0x3FBA] =	sst s10  }
0x32: {  	s10 =	sld [smem:$0x3FB8];
	_ =	sdelay $0x3  }
0x33: {  	p0 =	seq.s32 s10, $0x1;
	s10 =	sld [smem:$0x3FBA];
	_ =	sdelay $0x3  }
0x34: {  	[smem:$0x3FBA] =	sst s10  }
0x35: {  	s10 =	sld [smem:$0x3FB9];
	_ =	sdelay $0x3  }
0x36: {  	p1 =	seq.s32 s10, $0x1;
	s10 =	sld [smem:$0x3FBA];
	_ =	sdelay $0x3  }
0x37: {  	[smem:$0x3FBA] =	sst s10  }
0x38: {  	s10 =	sld [smem:$0x3FBB]  }
0x39: {  	_ = 	snop;
	(pc) =	sbr.ind lr, $3  }
0x3a: {  	_ = 	snop  }
0x3b: {  	_ = 	snop  }
0x3c: {  	p2 =	seq.s32 s10, $0x1;
	s10 =	sld [smem:$0x3FBA]  }
0x3d: {  	_ =	shalt  }
0x3e: {  	_ =	shalt  }
0x3f: {  	_ =	shalt  }
0x40: {  	_ =	shalt  }
0x41: {  	_ =	shalt  }
0x42: {  	_ =	shalt  }
0x43: {  	_ =	shalt  }
0x44: {  	_ =	shalt  }
0x45: {  	_ =	shalt  }
0x46: {  	_ =	shalt  }
0x47: {  	_ =	shalt  }
0x48: {  	_ =	shalt  }
0x49: {  	_ =	shalt  }
0x4a: {  	_ =	shalt  }
0x4b: {  	_ =	shalt  }
0x4c: {  	_ =	shalt  }
0x4d: {  	_ =	shalt  }
0x4e: {  	_ =	shalt  }
0x4f: {  	_ =	shalt  }
0x50: {  	_ =	shalt  }
0x51: {  	_ =	shalt  }
0x52: {  	_ =	shalt  }
0x53: {  	_ =	shalt  }
0x54: {  	_ =	shalt  }
0x55: {  	_ =	shalt  }
0x56: {  	_ =	shalt  }
0x57: {  	_ =	shalt  }
0x58: {  	_ =	shalt  }
0x59: {  	_ =	shalt  }
0x5a: {  	_ =	shalt  }
0x5b: {  	_ =	shalt  }
0x5c: {  	_ =	shalt  }
0x5d: {  	_ =	shalt  }
0x5e: {  	_ =	shalt  }
0x5f: {  	_ =	shalt  }
0x60: {  	_ =	shalt  }
0x61: {  	_ =	shalt  }
0x62: {  	_ =	shalt  }
0x63: {  	_ =	shalt  }
0x64: {  	_ =	shalt  }
0x65: {  	_ =	shalt  }
0x66: {  	_ =	shalt  }
0x67: {  	_ =	shalt  }
0x68: {  	_ =	shalt  }
0x69: {  	_ =	shalt  }
0x6a: {  	_ =	shalt  }
0x6b: {  	_ =	shalt  }
0x6c: {  	_ =	shalt  }
0x6d: {  	_ =	shalt  }
0x6e: {  	_ =	shalt  }
0x6f: {  	_ =	shalt  }
0x70: {  	_ =	shalt  }
0x71: {  	_ =	shalt  }
0x72: {  	_ =	shalt  }
0x73: {  	_ =	shalt  }
0x74: {  	_ =	shalt  }
0x75: {  	_ =	shalt  }
0x76: {  	_ =	shalt  }
0x77: {  	_ =	shalt  }
0x78: {  	_ =	shalt  }
0x79: {  	_ =	shalt  }
0x7a: {  	_ =	shalt  }
0x7b: {  	_ =	shalt  }
0x7c: {  	_ =	shalt  }
0x7d: {  	_ =	shalt  }
0x7e: {  	_ =	shalt  }
0x7f: {  	_ =	shalt  }
0x80: {  	_ =	shalt  }
0x81: {  	_ =	shalt  }
0x82: {  	_ =	shalt  }
0x83: {  	_ =	shalt  }
0x84: {  	_ =	shalt  }
0x85: {  	_ =	shalt  }
0x86: {  	_ =	shalt  }
0x87: {  	_ =	shalt  }
.Lfunc_end0:
.L_simem_size_0:
called_computation_lowered:
.L_overlay_start_0:
0x88: {  	s2 =	sld [smem:$0x3FD9]  }
0x89: {  	s3 =	sld [smem:$0x3FFE];
	_ =	sdelay $0x1  }
0x8a: {  	s1 =	srdreg.scid  }
0x8b: {  	s0 =	sand.u32 $0x1, s1  }
0x8c: {  	s17 =	sshll.u32 s0, $0xA;
	s2 =	sadd.s32 s3, s2  }
0x8d: {  	s2 =	sadd.s32 s2, s17  }
0x8e: {  	[smem:$0x3FC6] =	sst s2  }
0x8f: {  	_ = 	snop  }
0x90: {  	s2 =	sld [smem:$0x3FC8]  }
0x91: {  	s18 =	sld [smem:$0x3FD0];
	(tm) =	ssettm $0x1  }
0x92: {  	s4 =	sld [smem:$0x3FFB];
	_ =	sdelay $0x3  }
0x93: {  	_ =	strace s4  }
0x94: {  	s4 =	sld [smem:$0x3FFC];
	_ =	sdelay $0x3  }
0x95: {  	_ =	strace s4  }
0x96: {  	s4 =	sld [smem:$0x3FFD];
	_ =	sdelay $0x3  }
0x97: {  	_ =	strace s4  }
0x98: {  	_ =	strace $0x8FFFFFFF  }
0x99: {  	s19 =	sld [smem:$0x3FDB];
	_ =	sdelay $0x1  }
0x9a: {  	s5 =	simm.s32 $_scs_section_size  }
0x9b: {  	s6 =	simm.s32 $_size__tile_overlayer_lowered;
	s7 =	simm.s32 $_tile_overlayer_lowered  }
0x9c: {  	s22 =	simm.s32 $0x1BFF;
	s21 =	sshll.u32 s7, $0x1;
	s4 =	sadd.s32 s5, s19  }
0x9d: {  	s8 =	simm.s32 $0x0;
	s20 =	sshll.u32 s6, $0x1;
	s6 =	sadd.s32 s21, s4  }
0x9e: {  	[timem:s8], [sflag:s22] =	dma.local [hbm:s6], s20  }
0x9f: {  	_ =	swait.ge [sflag:s22], s20  }
0xa0: {  	s5 =	ssub.s32 $0x0, s20;
	[sflag:s22] =	ssyncset.done $0x0  }
0xa1: {  	[sflag:s22] =	ssyncadd.s32 s5;
	_ =	sdelay $0x1  }
0xa2: {  	s23 =	simm.s32 $0x1B8B  }
0xa3: {  	_ =	swait.ge [sflag:s23], $0x1  }
0xa4: {  	[sflag:s23] =	ssyncset.done $0x0  }
0xa5: {  	s25 =	simm.s32 $0x1B8E;
	s24 =	sld [smem:$0x3FFE];
	[sflag:s23] =	ssyncadd.s32 $0xFFFFFFFF  }
0xa6: {  	s26 =	simm.s32 $execute0_lowered;
	[smem:$0x3FD2] =	sst s25  }
0xa7: {  	s6 =	sshll.u32 s26, $0x1;
	_ =	strace $0x80000046;
	[dreg:$0x1] =	wrdreg $0xFFFFFFFF  }
0xa8: {  	s28 =	simm.s32 $_size_execute0_lowered;
	s4 =	sadd.s32 s4, s6;
	[dreg:$0x0] =	wrdreg $0x0  }
0xa9: {  	s6 =	sshll.u32 s28, $0x1;
	[dreg:$0x2] =	wrdreg s4  }
0xaa: {  	[dreg:$0x3] =	wrdreg s6  }
0xab: {  	[dreg:$0x4] =	wrdreg $0xC0  }
0xac: {  	_ =	task [dreg:s8], $0x5FFFF  }
0xad: {  	[dreg:$0x1] =	wrdreg $0xFFFFFFFF  }
0xae: {  	[dreg:$0x0] =	wrdreg $0x60  }
0xaf: {  	[dreg:$0x2] =	wrdreg s2  }
0xb0: {  	[dreg:$0x3] =	wrdreg s18  }
0xb1: {  	[dreg:$0x4] =	wrdreg s24  }
0xb2: {  	[dreg:$0x5] =	wrdreg $0x9  }
0xb3: {  	_ =	task.clear_ibuf [dreg:s8], $0x6FFFF;
	_ =	strace $0x90000046  }
0xb4: {  	s29 =	simm.s32 $0x9;
	_ =	strace $0x80000048  }
0xb5: {  	_ =	swait.ge [sflag:s29], $0x1  }
0xb6: {  	[sflag:s29] =	ssyncadd.s32 $0xFFFFFFFF  }
0xb7: {  	_ =	strace $0x90000048  }
0xb8: {  	_ =	sfence  }
0xb9: {  	s30 =	sld [smem:$0x0];
	_ =	sdelay $0x2  }
0xba: {  	s31 =	sshll.u32 s1, $0xD;
	s1 =	sshrl.u32 s1, $0x2  }
0xbb: {  	s3 =	sand.u32 $0x4000, s31;
	s1 =	sadd.s32 s1, s30  }
0xbc: {  	s0 =	sor.u32 s3, s0;
	s1 =	sshll.u32 s1, $0x11  }
0xbd: {  	s0 =	sor.u32 s1, s0  }
0xbe: {  	s0 =	sadd.s32 $0x8F2B, s0  }
0xbf: {  	[sflag:s0] =	ssyncadd.remote.s32 $0x1  }
0xc0: {  	_ =	sfence.sel $0xFFFF  }
0xc1: {  	[dreg:$0x0] =	wrdreg $0xFFFFFFFF;
	(pc) =	sbr.abs _section_cstart, $3  }
0xc2: {  	[dreg:$0x1] =	wrdreg $0xFFFFFFFF  }
0xc3: {  	_ =	task.clear_ibuf [dreg:s8], $0x2FFFF;
	_ =	strace $0x9FFFFFFF  }
0xc4: {  	(tm) =	ssettm $0x7FFFFFFF  }
0xc5: {  	_ =	shalt  }
tec
execute0_lowered:
.L_overlay_start_1:
0x0: {  	(tag) =	ssettag $0x1  }
0x1: {  	v0 =	vimm.s32 $0x1380;
	vm0 =	vcmask $0x300;
	v1 =	vimm.s32 $0x3380  }
0x2: {  	vm1 =	vcmask $0x704;
	v0 =	vsel vm0, $0x0, v0;
	v1 =	vsel vm0, $0x2000, v1  }
0x3: {  	vm15 =	vcmask $0xB08;
	v0 =	vsel vm1, $0x80, v0;
	v1 =	vsel vm1, $0x2080, v1  }
0x4: {  	s0 =	rddreg [dreg:$0x0];
	vm4 =	vcmask $0xF0C;
	v0 =	vsel vm15, $0x100, v0;
	v1 =	vsel vm15, $0x2100, v1  }
0x5: {  	s1 =	rddreg [dreg:$0x1];
	vm5 =	vcmask $0x1310;
	v0 =	vsel vm4, $0x180, v0;
	v1 =	vsel vm4, $0x2180, v1  }
0x6: {  	s11 =	rddreg [dreg:$0x2];
	vm6 =	vcmask $0x1714;
	v0 =	vsel vm5, $0x200, v0;
	v1 =	vsel vm5, $0x2200, v1  }
0x7: {  	s2 =	rddreg [dreg:$0x3];
	s3 =	simm.s32 $0x0;
	vm7 =	vcmask $0x1B18;
	v0 =	vsel vm6, $0x280, v0;
	v1 =	vsel vm6, $0x2280, v1  }
0x8: {  	s5 =	srdreg.scid;
	s4 =	stileid.u32;
	vm8 =	vcmask $0x1F1C;
	s13 =	simm.s32 $0x1000;
	v0 =	vsel vm7, $0x300, v0;
	v1 =	vsel vm7, $0x2300, v1  }
0x9: {  	vm9 =	vcmask $0x2320;
	s14 =	simm.s32 $0x7A1400;
	s15 =	simm.s32 $0x4000;
	s17 =	simm.s32 $0x4;
	v0 =	vsel vm8, $0x380, v0;
	v1 =	vsel vm8, $0x2380, v1  }
0xa: {  	vm10 =	vcmask $0x2724;
	s18 =	simm.s32 $0x0;
	[smem:$0x7FF] =	sst s3;
	s6 =	sand.u32 $0x1, s5;
	v0 =	vsel vm9, $0x1000, v0;
	v1 =	vsel vm9, $0x3000, v1  }
0xb: {  	vm11 =	vcmask $0x2B28;
	s7 =	sshll.u32 s4, $0x1;
	s5 =	sadd.s32 $0xA00, s11;
	s11 =	sadd.s32 $0x3D1200, s11;
	v0 =	vsel vm10, $0x1080, v0;
	v1 =	vsel vm10, $0x3080, v1  }
0xc: {  	vm12 =	vcmask $0x2F2C;
	_ =	strace $0x80000047;
	s8 =	ssub.s32 $0x2, s6;
	s16 =	sor.u32 s6, s7;
	v0 =	vsel vm11, $0x1100, v0;
	v1 =	vsel vm11, $0x3100, v1  }
0xd: {  	vm13 =	vcmask $0x3330;
	s31 =	sshrl.u32 s8, $0x1;
	s7 =	ssub.s32 $0x7C0, s16;
	s9 =	sshll.u32 s16, $0x9;
	v0 =	vsel vm12, $0x1180, v0;
	v1 =	vsel vm12, $0x3180, v1  }
0xe: {  	vm14 =	vcmask $0x3734;
	s10 =	sshll.u32 s16, $0xE;
	p0 =	sne.s32 s16, $0x0;
	s12 =	ssub.s32 s8, s31;
	v0 =	vsel vm13, $0x1200, v0;
	v1 =	vsel vm13, $0x3200, v1  }
0xf: {  	vm15 =	vcmask $0x3B38;
	s6 =	sshrl.u32 s7, $0x5;
	s7 =	sadd.s32 s0, s9;
	s8 =	sshll.u32 s16, $0xC;
	v0 =	vsel vm14, $0x1280, v0;
	v1 =	vsel vm14, $0x3280, v1  }
0x10: {  	s16 =	simm.s32 $0x3;
	s9 =	sadd.s32 $0x4000, s7;
	s12 =	smax.u32 s12, $0x1;
	v0 =	vsel vm15, $0x1300, v0;
	v1 =	vsel vm15, $0x3300, v1  }
.LBB2_1:
0x11: {  	[tilespmem:s3], [sflag:$0x1] =	stream.strided.gather [hbm4b:s7+s13], $0x4000, s14, s13, $0x38;
	[tilespmem:$0x10000] =	vst v63  }
0x12: {  	p1 =	por $0x0, $0x0;
	s19 =	simm.s32 $0x0  }
0x13: {  	[tilespmem:s15], [sflag:$0x2] =	stream.strided.gather [hbm4b:s9+s13], $0x4000, s14, s13, $0x38;
	[tilespmem:$0x10000] =	vst v63  }
.LBB2_2:
0x14: {  	s20 =	simm.s32 $0x0;
	s31 =	simm.s32 $0x1;
	s21 =	simm.s32 $0x2  }
0x15: {  	s22 =	simm.s32 $0x3;
	s23 =	simm.s32 $0x6;
	s24 =	simm.s32 $0x7;
	v2 =	vmov s20;
	v4 =	vmov s31;
	v5 =	vmov s21  }
0x16: {  	v6 =	vmov s22;
	s21 =	simm.s32 $0x4;
	v9 =	vmov s23;
	v16 =	vmov s24  }
0x17: {  	s22 =	simm.s32 $0x5;
	v3 =	vand.u32 $0x78, v2;
	v2 =	vshll.u32 v2, $0x3;
	v7 =	vmov s21  }
0x18: {  	v8 =	vmov s22;
	v10 =	vand.u32 $0x79, v4;
	v11 =	vand.u32 $0x7A, v5  }
0x19: {  	v12 =	vand.u32 $0x7B, v6;
	v15 =	vand.u32 $0x7E, v9;
	v4 =	vshll.u32 v4, $0x3  }
0x1a: {  	v5 =	vshll.u32 v5, $0x3;
	v6 =	vshll.u32 v6, $0x3;
	v9 =	vshll.u32 v9, $0x3  }
0x1b: {  	s21 =	sand.u32 $0x1, s19;
	v17 =	vshll.u32 v16, $0x3;
	v2 =	vand.u32 $0xC00, v2;
	v13 =	vand.u32 $0x7C, v7  }
0x1c: {  	v14 =	vand.u32 $0x7D, v8;
	v7 =	vshll.u32 v7, $0x3;
	s20 =	sadd.s32 $0x1, s21;
	v8 =	vshll.u32 v8, $0x3  }
0x1d: {  	v4 =	vand.u32 $0xC00, v4;
	_ =	swait.ge [sflag:s20], $0x4000;
	v2 =	vor.u32 v3, v2;
	v3 =	vand.u32 $0x7F, v16  }
0x1e: {  	p2 =	slt.u32 s19, $0x2;
	v16 =	vand.u32 $0xC00, v17;
	v10 =	vor.u32 v10, v4;
	[sflag:s20] =	ssyncset.done $0x0;
	v17 =	vor.u32 v0, v2  }
0x1f: {  	s23 =	sadd.s32 @!p2 $0x3, s21;
	v16 =	vor.u32 v3, v16;
	v3 =	vand.u32 $0xC00, v5;
	v5 =	vor.u32 v0, v10;
	[sflag:s20] =	ssyncadd.s32 $0xFFFFC000  }
0x20: {  	v4 =	vor.u32 v0, v16;
	v11 =	vor.u32 v11, v3;
	v3 =	vand.u32 $0xC00, v6;
	_ =	swait.ge @!p2 [sflag:s23], $0x4000  }
0x21: {  	v6 =	vor.u32 v0, v11;
	v12 =	vor.u32 v12, v3;
	v3 =	vand.u32 $0xC00, v7;
	[sflag:s23] =	ssyncset.done @!p2 $0x0  }
0x22: {  	s22 =	sshll.u32 s21, $0xE;
	v8 =	vand.u32 $0xC00, v8;
	v7 =	vor.u32 v0, v12;
	v18 =	vor.u32 v13, v3;
	[sflag:s23] =	ssyncadd.s32 @!p2 $0xFFFFC000  }
0x23: {  	v14 =	vor.u32 v14, v8;
	v8 =	vand.u32 $0xC00, v9;
	v3 =	vld.idx.msk [tilespmem:v17+s22+$0x0], $0xffff;
	v17 =	vor.u32 v0, v18  }
0x24: {  	s26 =	simm.s32 $0x9;
	s28 =	simm.s32 $0xA;
	v20 =	vor.u32 v0, v14;
	v24 =	vor.u32 v15, v8;
	v5 =	vld.idx.msk [tilespmem:v5+s22+$0x0], $0xffff  }
0x25: {  	s25 =	simm.s32 $0x8;
	v25 =	vmov s26;
	v28 =	vmov s28;
	v22 =	vor.u32 v0, v24;
	v8 =	vld.idx.msk [tilespmem:v4+s22+$0x0], $0xffff  }
0x26: {  	s29 =	simm.s32 $0xC;
	s24 =	simm.s32 $0x1;
	v9 =	vmov s25;
	s25 =	simm.s32 $0xB;
	v30 =	vor.u32 v1, v10;
	v10 =	vand.u32 $0x7A, v28;
	v26 =	vld.idx.msk [tilespmem:v6+s22+$0x0], $0xffff  }
0x27: {  	s31 =	simm.s32 $0xE;
	s24 =	simm.s32 @!p1 $0x0;
	v27 =	vor.u32 v1, v16;
	v29 =	vmov s25;
	v15 =	vmov s29;
	v31 =	vld.idx.msk [tilespmem:v7+s22+$0x0], $0xffff  }
0x28: {  	s24 =	sshll.u32 s24, $0xE;
	v16 =	vmov s31;
	v23 =	vor.u32 v1, v14;
	v32 =	vor.u32 v1, v11;
	v19 =	vld.idx.msk [tilespmem:v17+s22+$0x0], $0xffff  }
0x29: {  	s24 =	sor.u32 $0x8080, s24;
	v11 =	vand.u32 $0x79, v25;
	v24 =	vor.u32 v1, v24;
	v21 =	vor.u32 v1, v12;
	v17 =	vld.idx.msk [tilespmem:v20+s22+$0x0], $0xffff  }
0x2a: {  	s30 =	simm.s32 $0xD;
	v4 =	vand.u32 $0x78, v9;
	v9 =	vshll.u32 v9, $0x3;
	v20 =	vor.u32 v1, v18;
	v18 =	vld.idx.msk [tilespmem:v22+s22+$0x0], $0xffff;
	[tilespmem:s24+$0xFFFFFFA0] =	vst v5  }
0x2b: {  	v13 =	vmov s30;
	v6 =	vand.u32 $0xC00, v9;
	v9 =	vand.u32 $0x7B, v29;
	[tilespmem:s24+$0x60] =	vst v8;
	v12 =	vld.idx.msk [tilespmem:v30+s22+$0x0], $0xffff  }
0x2c: {  	v7 =	vand.u32 $0x7D, v13;
	v5 =	vand.u32 $0x7E, v16;
	v8 =	vand.u32 $0x7C, v15;
	v22 =	vld.idx.msk [tilespmem:v27+s22+$0x0], $0xffff;
	[tilespmem:s24+$0xFFFFFFC0] =	vst v26  }
0x2d: {  	s26 =	simm.s32 $0xF;
	s25 =	simm.s32 $0x10;
	s23 =	sor.u32 $0x8000, s22;
	v27 =	vshll.u32 v25, $0x3;
	v26 =	vshll.u32 v28, $0x3;
	v25 =	vshll.u32 v29, $0x3;
	v14 =	vld.idx.msk [tilespmem:v32+s22+$0x0], $0xffff;
	[tilespmem:s24+$0xFFFFFFE0] =	vst v31  }
.LBB2_3:
0x2e: {  	p2 =	slt.u32 s25, $0x1F8;
	v15 =	vshll.u32 v15, $0x3;
	v28 =	vmov s26;
	v29 =	vor.u32 v1, v2;
	v21 =	vld.idx.msk [tilespmem:v21+s22+$0x0], $0xffff;
	[tilespmem:s24+$0x0] =	vst v19  }
0x2f: {  	v13 =	vshll.u32 v13, $0x3;
	v16 =	vshll.u32 v16, $0x3;
	v19 =	vshll.u32 v28, $0x3;
	v20 =	vld.idx.msk [tilespmem:v20+s22+$0x0], $0xffff;
	[tilespmem:s24+$0x20] =	vst v17  }
0x30: {  	v2 =	vor.u32 v4, v6;
	v4 =	vand.u32 $0x7F, v28;
	v6 =	vand.u32 $0xC00, v19;
	v17 =	vld.idx.msk [tilespmem:v23+s22+$0x0], $0xffff;
	[tilespmem:s24+$0x40] =	vst v18  }
0x31: {  	v18 =	vor.u32 v0, v2;
	v19 =	vand.u32 $0xC00, v27;
	v6 =	vor.u32 v4, v6;
	v23 =	vld.idx.msk [tilespmem:v24+s22+$0x0], $0xffff;
	[tilespmem:s24+$0x70] =	vst v22  }
0x32: {  	v11 =	vor.u32 v11, v19;
	v4 =	vand.u32 $0xC00, v26;
	v19 =	vor.u32 v0, v6;
	[tilespmem:s24+$0xFFFFFF80] =	vst v3  }
0x33: {  	v22 =	vor.u32 v0, v11;
	v10 =	vor.u32 v10, v4;
	v3 =	vand.u32 $0xC00, v25;
	v24 =	vld.idx.msk [tilespmem:v29+s22+$0x0], $0xffff;
	[tilespmem:s24+$0xFFFFFFB0] =	vst v12  }
0x34: {  	v12 =	vor.u32 v0, v10;
	v9 =	vor.u32 v9, v3;
	v3 =	vand.u32 $0xC00, v15;
	[tilespmem:s24+$0xFFFFFFD0] =	vst v14  }
0x35: {  	v4 =	vand.u32 $0xC00, v13;
	v14 =	vor.u32 v0, v9;
	v8 =	vor.u32 v8, v3;
	[tilespmem:s24+$0xFFFFFFF0] =	vst v21  }
0x36: {  	v7 =	vor.u32 v7, v4;
	v4 =	vand.u32 $0xC00, v16;
	v3 =	vld.idx.msk [tilespmem:v18+s22+$0x0], $0xffff;
	v18 =	vor.u32 v0, v8;
	[tilespmem:s24+$0x10] =	vst v20  }
0x37: {  	v13 =	vmov s25;
	v25 =	vor.u32 v5, v4;
	v20 =	vor.u32 v0, v7;
	v5 =	vld.idx.msk [tilespmem:v19+s22+$0x0], $0xffff;
	[tilespmem:s24+$0x30] =	vst v17  }
0x38: {  	s26 =	sadd.s32 $0x1, s25;
	v4 =	vand.u32 $0x78, v13;
	v26 =	vor.u32 v0, v25;
	v22 =	vld.idx.msk [tilespmem:v22+s22+$0x0], $0xffff;
	[tilespmem:s24+$0x50] =	vst v23  }
0x39: {  	s28 =	sadd.s32 $0x3, s25;
	v27 =	vmov s26;
	s26 =	sadd.s32 $0x2, s25;
	v16 =	vshll.u32 v13, $0x3;
	v28 =	vld.idx.msk [tilespmem:v12+s22+$0x0], $0xffff;
	v12 =	vor.u32 v1, v6;
	[tilespmem:s24+$0xFFFFFF90] =	vst v24  }
0x3a: {  	v30 =	vmov s28;
	s28 =	sadd.s32 $0x5, s25;
	v29 =	vmov s26;
	s26 =	sadd.s32 $0x4, s25;
	v24 =	vor.u32 v1, v11;
	v31 =	vld.idx.msk [tilespmem:v14+s22+$0x0], $0xffff  }
0x3b: {  	v15 =	vmov s26;
	v13 =	vmov s28;
	s26 =	sadd.s32 $0x6, s25;
	v14 =	vor.u32 v1, v10;
	v19 =	vld.idx.msk [tilespmem:v18+s22+$0x0], $0xffff  }
.Ltmp0:
0x3c: {  	v21 =	vor.u32 v1, v9;
	v6 =	vand.u32 $0xC00, v16;
	v16 =	vmov s26;
	s24 =	sadd.s32 $0x100, s24;
	v17 =	vld.idx.msk [tilespmem:v20+s22+$0x0], $0xffff;
	(pc) =	sbr.rel @p2 .LBB2_3-.Ltmp0, $4  }
0x3d: {  	v11 =	vand.u32 $0x79, v27;
	v10 =	vand.u32 $0x7A, v29;
	v20 =	vor.u32 v1, v8;
	v18 =	vld.idx.msk [tilespmem:v26+s22+$0x0], $0xffff;
	[tilespmem:s24+$0x60] =	vst v5  }
0x3e: {  	v9 =	vand.u32 $0x7B, v30;
	v23 =	vor.u32 v1, v7;
	v8 =	vand.u32 $0x7C, v15;
	[tilespmem:s24+$0xFFFFFFA0] =	vst v22;
	v22 =	vld.idx.msk [tilespmem:v12+s22+$0x0], $0xffff  }
0x3f: {  	v7 =	vand.u32 $0x7D, v13;
	v5 =	vand.u32 $0x7E, v16;
	v12 =	vld.idx.msk [tilespmem:v24+s22+$0x0], $0xffff;
	[tilespmem:s24+$0xFFFFFFC0] =	vst v28;
	v24 =	vor.u32 v1, v25  }
0x40: {  	v27 =	vshll.u32 v27, $0x3;
	s26 =	sadd.s32 $0x7, s25;
	s25 =	sadd.s32 $0x8, s25;
	v26 =	vshll.u32 v29, $0x3;
	v25 =	vshll.u32 v30, $0x3;
	v14 =	vld.idx.msk [tilespmem:v14+s22+$0x0], $0xffff;
	[tilespmem:s24+$0xFFFFFFE0] =	vst v31  }
0x41: {  	v28 =	vmov s26  }
0x42: {  	v15 =	vshll.u32 v15, $0x3;
	v2 =	vor.u32 v1, v2;
	v13 =	vshll.u32 v13, $0x3  }
0x43: {  	[tilespmem:s24+$0x0] =	vst v19;
	v16 =	vshll.u32 v16, $0x3;
	v45 =	vand.u32 $0xC00, v27;
	v46 =	vand.u32 $0xC00, v26  }
0x44: {  	[tilespmem:s24+$0x20] =	vst v17;
	v49 =	vand.u32 $0xC00, v25;
	v29 =	vshll.u32 v28, $0x3;
	v11 =	vor.u32 v11, v45  }
0x45: {  	v21 =	vld.idx.msk [tilespmem:v21+s22+$0x0], $0xffff;
	[tilespmem:s24+$0xFFFFFF80] =	vst v3;
	v43 =	vand.u32 $0x7F, v28;
	v10 =	vor.u32 v10, v46;
	v48 =	vor.u32 v0, v11  }
0x46: {  	[tilespmem:s24+$0x40] =	vst v18;
	v20 =	vld.idx.msk [tilespmem:v20+s22+$0x0], $0xffff;
	v9 =	vor.u32 v9, v49;
	v15 =	vand.u32 $0xC00, v15;
	v3 =	vor.u32 v0, v10  }
0x47: {  	v23 =	vld.idx.msk [tilespmem:v23+s22+$0x0], $0xffff;
	v13 =	vand.u32 $0xC00, v13;
	[tilespmem:s24+$0x70] =	vst v22;
	v51 =	vor.u32 v0, v9;
	v8 =	vor.u32 v8, v15  }
0x48: {  	v53 =	vand.u32 $0xC00, v16;
	v50 =	vld.idx.msk [tilespmem:v24+s22+$0x0], $0xffff;
	v7 =	vor.u32 v7, v13;
	[tilespmem:s24+$0xFFFFFFB0] =	vst v12;
	v52 =	vor.u32 v0, v8  }
0x49: {  	v44 =	vand.u32 $0xC00, v29;
	v5 =	vor.u32 v5, v53;
	v54 =	vor.u32 v0, v7;
	[tilespmem:s24+$0xFFFFFFD0] =	vst v14;
	v2 =	vld.idx.msk [tilespmem:v2+s22+$0x0], $0xffff  }
0x4a: {  	v19 =	vor.u32 v43, v44;
	v57 =	vor.u32 v0, v5;
	[tilespmem:s24+$0xFFFFFFF0] =	vst v21;
	v56 =	vld.idx.msk [tilespmem:v48+s22+$0x0], $0xffff  }
0x4b: {  	v4 =	vor.u32 v4, v6;
	v47 =	vor.u32 v0, v19;
	[tilespmem:s24+$0x10] =	vst v20;
	v3 =	vld.idx.msk [tilespmem:v3+s22+$0x0], $0xffff  }
0x4c: {  	v59 =	vor.u32 v0, v4;
	[tilespmem:s24+$0x30] =	vst v23;
	v12 =	vld.idx.msk [tilespmem:v51+s22+$0x0], $0xffff  }
0x4d: {  	v10 =	vor.u32 v1, v10;
	[tilespmem:s24+$0x50] =	vst v50;
	v60 =	vld.idx.msk [tilespmem:v52+s22+$0x0], $0xffff  }
0x4e: {  	s30 =	sadd.s32 $0x100, s24;
	v9 =	vor.u32 v1, v9;
	v61 =	vld.idx.msk [tilespmem:v54+s22+$0x0], $0xffff;
	[tilespmem:s24+$0xFFFFFF90] =	vst v2  }
0x4f: {  	v62 =	vld.idx.msk [tilespmem:v57+s22+$0x0], $0xffff;
	v2 =	vor.u32 v1, v11;
	[tilespmem:s30+$0xFFFFFFA0] =	vst v56  }
0x50: {  	v8 =	vor.u32 v1, v8;
	v55 =	vld.idx.msk [tilespmem:v47+s22+$0x0], $0xffff;
	[tilespmem:s30+$0xFFFFFFC0] =	vst v3  }
0x51: {  	v7 =	vor.u32 v1, v7;
	v3 =	vld.idx.msk [tilespmem:v59+s22+$0x0], $0xffff;
	[tilespmem:s30+$0xFFFFFFE0] =	vst v12  }
0x52: {  	v58 =	vor.u32 v1, v19;
	[tilespmem:s30+$0x0] =	vst v60;
	v10 =	vld.idx.msk [tilespmem:v10+s22+$0x0], $0xffff  }
0x53: {  	v5 =	vor.u32 v1, v5;
	[tilespmem:s30+$0x20] =	vst v61;
	v9 =	vld.idx.msk [tilespmem:v9+s22+$0x0], $0xffff  }
0x54: {  	v4 =	vor.u32 v1, v4;
	[tilespmem:s30+$0x40] =	vst v62;
	v2 =	vld.idx.msk [tilespmem:v2+s22+$0x0], $0xffff  }
0x55: {  	[tilespmem:s30+$0x60] =	vst v55;
	v8 =	vld.idx.msk [tilespmem:v8+s22+$0x0], $0xffff  }
0x56: {  	v63 =	vld.idx.msk [tilespmem:v7+s22+$0x0], $0xffff;
	[tilespmem:s30+$0xFFFFFF80] =	vst v3  }
0x57: {  	v6 =	vld.idx.msk [tilespmem:v58+s22+$0x0], $0xffff;
	[tilespmem:s30+$0xFFFFFFD0] =	vst v10  }
0x58: {  	v3 =	vld.idx.msk [tilespmem:v5+s22+$0x0], $0xffff;
	[tilespmem:s30+$0xFFFFFFF0] =	vst v9  }
0x59: {  	[tilespmem:s30+$0xFFFFFFB0] =	vst v2;
	v2 =	vld.idx.msk [tilespmem:v4+s22+$0x0], $0xffff  }
0x5a: {  	[tilespmem:s30+$0x10] =	vst v8  }
0x5b: {  	s25 =	sshll.u32 s19, $0x13;
	[tilespmem:s30+$0x30] =	vst v63  }
0x5c: {  	s25 =	sor.u32 s10, s25;
	[tilespmem:s30+$0x70] =	vst v6  }
0x5d: {  	s25 =	sshrl.u32 s25, $0x3;
	[tilespmem:s30+$0x50] =	vst v3  }
0x5e: {  	s21 =	sadd.s32 $0x3, s21;
	s31 =	sadd.s32 s5, s25;
	[tilespmem:s30+$0xFFFFFF90] =	vst v2  }
0x5f: {  	[hbm4b:s31+s3] =	stream.linear.scatter [tilespmem:s23], [sflag:s21], $0x4000, $0x38;
	[tilespmem:$0x10000] =	vst v63  }
0x60: {  	s21 =	sadd.s32 $0x2, s19  }
0x61: {  	p2 =	sge.u32 s21, s6  }
0x62: {  	s21 =	sshll.u32 @!p2 s21, $0x11  }
0x63: {  	s21 =	sor.u32 @!p2 s8, s21  }
0x64: {  	s19 =	sadd.s32 $0x1, s19;
	s21 =	sshrl.u32 @!p2 s21, $0x3  }
0x65: {  	s23 =	simm.s32 @!p2 $0x1000;
	s24 =	simm.s32 @!p2 $0x7A1400;
	s21 =	sadd.s32 @!p2 s0, s21  }
0x66: {  	[tilespmem:s22], [sflag:s20] =	stream.strided.gather @!p2 [hbm4b:s21+s23], $0x4000, s24, s23, $0x38;
	[tilespmem:$0x10000] =	vst v63  }
0x67: {  	p2 =	sne.s32 s19, s6  }
.Ltmp1:
0x68: {  	_ = 	snop;
	(pc) =	sbr.rel @p2 .LBB2_2-.Ltmp1, $2  }
0x69: {  	_ =	sdelay $0x2  }
0x6a: {  	p1 =	por !p1, !p1  }
0x6b: {  	_ =	swait.ge [sflag:s16], $0x4000  }
0x6c: {  	[sflag:s16] =	ssyncset.done $0x0  }
0x6d: {  	[sflag:s16] =	ssyncadd.s32 $0xFFFFC000  }
0x6e: {  	_ =	swait.ge [sflag:s17], $0x4000  }
0x6f: {  	s19 =	simm.s32 @!p0 $0x0;
	[sflag:s17] =	ssyncset.done $0x0  }
0x70: {  	s20 =	simm.s32 @!p0 $0x8000;
	s21 =	simm.s32 @!p0 $0x5;
	[sflag:s17] =	ssyncadd.s32 $0xFFFFC000  }
0x71: {  	[tilespmem:s20], [sflag:$0x5] =	stream.linear.gather @!p0 [hbm4b:s1+s19], $0x800, $0x38;
	[tilespmem:$0x10000] =	vst v63  }
0x72: {  	s18 =	sadd.s32 $0x1, s18;
	_ =	swait.ge @!p0 [sflag:s21], $0x800  }
0x73: {  	p1 =	sne.s32 s18, s12;
	[sflag:s21] =	ssyncset.done @!p0 $0x0  }
.Ltmp2:
0x74: {  	[sflag:s21] =	ssyncadd.s32 @!p0 $0xFFFFF800;
	(pc) =	sbr.rel @p1 .LBB2_1-.Ltmp2, $4  }
0x75: {  	[hbm4b:s11+s19] =	stream.linear.scatter @!p0 [tilespmem:s20], [sflag:$0x5], $0x800, $0x38;
	[tilespmem:$0x10000] =	vst v63  }
0x76: {  	_ =	swait.ge @!p0 [sflag:s21], $0x800  }
0x77: {  	[sflag:s21] =	ssyncset.done @!p0 $0x0  }
0x78: {  	[sflag:s21] =	ssyncadd.s32 @!p0 $0xFFFFF800  }
0x79: {  	_ =	sfence.sel $0x180000  }
0x7a: {  	[bflag:$0x0] =	sbarrier.arrive $0xFFFF  }
0x7b: {  	p0 =	sne.s32 s4, $0x0;
	_ =	strace $0x90000047  }
0x7c: {  	s0 =	sadd.s32 @!p0 $0x100000, s2;
	[bflag:$0x2] =	sbarrier.arrive $0xFFFF  }
0x7d: {  	[sflag:s0] =	ssyncadd.tile.s32 @!p0 $0x1;
	_ =	shalt  }
.Lfunc_end2:
_tile_overlayer_lowered:
.L_overlay_start_2:
0x7e: {  	(tag) =	ssettag $0x2  }
0x7f: {  	s0 =	rddreg [dreg:$0x0];
	s2 =	stileid.u32  }
0x80: {  	s1 =	rddreg [dreg:$0x1];
	p0 =	sne.s32 s2, $0x0  }
0x81: {  	s3 =	rddreg [dreg:$0x2];
	[bflag:$0x3] =	sbarrier.arrive $0xFFFF;
	s2 =	simm.s32 @!p0 $0x1C05  }
0x82: {  	[timem:s3], [sflag:s2] =	dma.local @!p0 [hbm:s0], s1  }
0x83: {  	s0 =	simm.s32 @!p0 $0x5  }
0x84: {  	_ =	swait.ge @!p0 [sflag:s0], s1  }
0x85: {  	s1 =	ssub.s32 @!p0 $0x0, s1;
	[sflag:s0] =	ssyncset.done @!p0 $0x0  }
0x86: {  	[sflag:s0] =	ssyncadd.s32 @!p0 s1  }
0x87: {  	[bflag:$0x3] =	sbarrier.arrive $0xFFFF  }
0x88: {  	_ =	shalt  }

// kernel: kernel.7.cloned.1.call-start
scs
__scs_entry_jumppad:
0x0: {  	(pc) =	sbr.rel $0x88, $3  }
0x1: {  	(tag) =	ssettag $0x0;
	lr =	simm.s32 $0x1  }
0x2: {  	[smem:$0x3F9F] =	sst lr;
	_ =	strace $0xD0000000  }
0x3: {  	_ = 	snop  }
0x4: {  	_ = 	snop  }
0x5: {  	_ = 	snop  }
0x6: {  	_ = 	snop  }
0x7: {  	_ = 	snop  }
__scs_overlays_trampoline_lowered:
0x8: {  	[smem:$0x3FAE] =	sst s0  }
0x9: {  	[smem:$0x3FAF] =	sst s1  }
0xa: {  	[smem:$0x3FB0] =	sst s2  }
0xb: {  	[smem:$0x3FB1] =	sst s3  }
0xc: {  	[smem:$0x3FB2] =	sst s4  }
0xd: {  	[smem:$0x3FB3] =	sst s5  }
0xe: {  	[smem:$0x3FB4] =	sst s6  }
0xf: {  	[smem:$0x3FB5] =	sst s7  }
0x10: {  	[smem:$0x3FB6] =	sst s8  }
0x11: {  	[smem:$0x3FB7] =	sst s9;
	s0 =	simm.s32 @!p0 $0x0  }
0x12: {  	s1 =	sld [smem:$0x3F9D];
	s0 =	simm.s32 @p0 $0x1  }
0x13: {  	[smem:$0x3FB8] =	sst s0;
	s0 =	simm.s32 @!p1 $0x0  }
0x14: {  	s2 =	sld [smem:$0x3F9C];
	s0 =	simm.s32 @p1 $0x1  }
0x15: {  	[smem:$0x3FB9] =	sst s0;
	s0 =	simm.s32 @!p2 $0x0  }
0x16: {  	s3 =	sld [smem:$0x3FDB];
	s0 =	simm.s32 @p2 $0x1  }
0x17: {  	s4 =	simm.s32 $0x1BF5;
	[smem:$0x3FBB] =	sst s0  }
0x18: {  	s0 =	sld [smem:$0x3F9E];
	_ =	swait.ge [sflag:s4], $0x0  }
0x19: {  	s7 =	sld [smem:$0x3F9F]  }
0x1a: {  	s8 =	sadd.s32 $0xFFFFE003, lr  }
0x1b: {  	s9 =	sadd.s32 $0xFFFFFEF7, lr;
	s5 =	simm.s32 $0xFFFFFFFF;
	p2 =	slt.u32 s8, $0xFFFFF086  }
0x1c: {  	p1 =	slt.u32 s9, $0xF7A;
	s5 =	simm.s32 @!p2 $0x0  }
0x1d: {  	s5 =	simm.s32 @p1 $0x1;
	p0 =	seq.s32 s7, s2  }
0x1e: {  	s7 =	smul.u32 @!p0 $0xF7A, s2;
	p2 =	seq.s32 @!p0 s5, $0x0  }
0x1f: {  	s9 =	smul.u32 $0xF7A, s1;
	s8 =	simm.s32 @!p0 $0x1BF5;
	p2 =	por !p2, p0  }
0x20: {  	[sflag:s8] =	ssyncset.s32 @!p0 $0xFFFFF086;
	s6 =	sadd.s32 @!p0 s3, s7;
	s7 =	simm.s32 @!p0 $0x108  }
0x21: {  	s3 =	sadd.s32 s3, s9;
	s6 =	sadd.s32 @!p0 $0x88, s6;
	s7 =	simm.s32 @p2 $0x1082  }
0x22: {  	[simem:s7], [sflag:s8] =	dma.local @!p0 [hbm:s6], $0xF7A  }
0x23: {  	s9 =	sor.u32 $0xD0000000, s2;
	s6 =	simm.s32 $0x108;
	_ =	swait.ge @!p0 [sflag:s8], $0x0  }
0x24: {  	s3 =	sadd.s32 $0x88, s3;
	s6 =	simm.s32 @!p1 $0x1082;
	[sflag:s4] =	ssyncset.s32 $0xFFFFF086  }
0x25: {  	[simem:s6], [sflag:s4] =	dma.local [hbm:s3], $0xF7A  }
0x26: {  	[smem:$0x3F9F] =	sst s1;
	(tag) =	ssettag s2;
	_ =	strace s9  }
0x27: {  	s1 =	sld [smem:$0x3FAF]  }
0x28: {  	s2 =	sld [smem:$0x3FB0]  }
0x29: {  	s4 =	sld [smem:$0x3FB2]  }
0x2a: {  	p0 =	seq.s32 s5, $0x0;
	s5 =	sld [smem:$0x3FB3]  }
0x2b: {  	s6 =	sld [smem:$0x3FB4]  }
0x2c: {  	s7 =	sld [smem:$0x3FB5]  }
0x2d: {  	s3 =	simm.s32 $0x108;
	s8 =	sld [smem:$0x3FB6]  }
0x2e: {  	s3 =	simm.s32 @!p0 $0x1082;
	s9 =	sld [smem:$0x3FB7]  }
0x2f: {  	lr =	sadd.s32 s0, s3;
	s0 =	sld [smem:$0x3FAE]  }
0x30: {  	s3 =	sld [smem:$0x3FB1]  }
0x31: {  	[smem:$0x3FBA] =	sst s10  }
0x32: {  	s10 =	sld [smem:$0x3FB8];
	_ =	sdelay $0x3  }
0x33: {  	p0 =	seq.s32 s10, $0x1;
	s10 =	sld [smem:$0x3FBA];
	_ =	sdelay $0x3  }
0x34: {  	[smem:$0x3FBA] =	sst s10  }
0x35: {  	s10 =	sld [smem:$0x3FB9];
	_ =	sdelay $0x3  }
0x36: {  	p1 =	seq.s32 s10, $0x1;
	s10 =	sld [smem:$0x3FBA];
	_ =	sdelay $0x3  }
0x37: {  	[smem:$0x3FBA] =	sst s10  }
0x38: {  	s10 =	sld [smem:$0x3FBB]  }
0x39: {  	_ = 	snop;
	(pc) =	sbr.ind lr, $3  }
0x3a: {  	_ = 	snop  }
0x3b: {  	_ = 	snop  }
0x3c: {  	p2 =	seq.s32 s10, $0x1;
	s10 =	sld [smem:$0x3FBA]  }
0x3d: {  	_ =	shalt  }
0x3e: {  	_ =	shalt  }
0x3f: {  	_ =	shalt  }
0x40: {  	_ =	shalt  }
0x41: {  	_ =	shalt  }
0x42: {  	_ =	shalt  }
0x43: {  	_ =	shalt  }
0x44: {  	_ =	shalt  }
0x45: {  	_ =	shalt  }
0x46: {  	_ =	shalt  }
0x47: {  	_ =	shalt  }
0x48: {  	_ =	shalt  }
0x49: {  	_ =	shalt  }
0x4a: {  	_ =	shalt  }
0x4b: {  	_ =	shalt  }
0x4c: {  	_ =	shalt  }
0x4d: {  	_ =	shalt  }
0x4e: {  	_ =	shalt  }
0x4f: {  	_ =	shalt  }
0x50: {  	_ =	shalt  }
0x51: {  	_ =	shalt  }
0x52: {  	_ =	shalt  }
0x53: {  	_ =	shalt  }
0x54: {  	_ =	shalt  }
0x55: {  	_ =	shalt  }
0x56: {  	_ =	shalt  }
0x57: {  	_ =	shalt  }
0x58: {  	_ =	shalt  }
0x59: {  	_ =	shalt  }
0x5a: {  	_ =	shalt  }
0x5b: {  	_ =	shalt  }
0x5c: {  	_ =	shalt  }
0x5d: {  	_ =	shalt  }
0x5e: {  	_ =	shalt  }
0x5f: {  	_ =	shalt  }
0x60: {  	_ =	shalt  }
0x61: {  	_ =	shalt  }
0x62: {  	_ =	shalt  }
0x63: {  	_ =	shalt  }
0x64: {  	_ =	shalt  }
0x65: {  	_ =	shalt  }
0x66: {  	_ =	shalt  }
0x67: {  	_ =	shalt  }
0x68: {  	_ =	shalt  }
0x69: {  	_ =	shalt  }
0x6a: {  	_ =	shalt  }
0x6b: {  	_ =	shalt  }
0x6c: {  	_ =	shalt  }
0x6d: {  	_ =	shalt  }
0x6e: {  	_ =	shalt  }
0x6f: {  	_ =	shalt  }
0x70: {  	_ =	shalt  }
0x71: {  	_ =	shalt  }
0x72: {  	_ =	shalt  }
0x73: {  	_ =	shalt  }
0x74: {  	_ =	shalt  }
0x75: {  	_ =	shalt  }
0x76: {  	_ =	shalt  }
0x77: {  	_ =	shalt  }
0x78: {  	_ =	shalt  }
0x79: {  	_ =	shalt  }
0x7a: {  	_ =	shalt  }
0x7b: {  	_ =	shalt  }
0x7c: {  	_ =	shalt  }
0x7d: {  	_ =	shalt  }
0x7e: {  	_ =	shalt  }
0x7f: {  	_ =	shalt  }
0x80: {  	_ =	shalt  }
0x81: {  	_ =	shalt  }
0x82: {  	_ =	shalt  }
0x83: {  	_ =	shalt  }
0x84: {  	_ =	shalt  }
0x85: {  	_ =	shalt  }
0x86: {  	_ =	shalt  }
0x87: {  	_ =	shalt  }
.Lfunc_end0:
.L_simem_size_0:
called_computation.1_lowered:
.L_overlay_start_0:
0x88: {  	s2 =	sld [smem:$0x3FD9]  }
0x89: {  	s3 =	sld [smem:$0x3FFE];
	_ =	sdelay $0x1  }
0x8a: {  	s1 =	srdreg.scid  }
0x8b: {  	s0 =	sand.u32 $0x1, s1  }
0x8c: {  	s17 =	sshll.u32 s0, $0xA;
	s2 =	sadd.s32 s3, s2  }
0x8d: {  	s2 =	sadd.s32 s2, s17  }
0x8e: {  	[smem:$0x3FC6] =	sst s2  }
0x8f: {  	_ = 	snop  }
0x90: {  	s2 =	sld [smem:$0x3FD0];
	(tm) =	ssettm $0x1  }
0x91: {  	s18 =	sld [smem:$0x3FFB];
	_ =	sdelay $0x3  }
0x92: {  	_ =	strace s18  }
0x93: {  	s3 =	sld [smem:$0x3FFC];
	_ =	sdelay $0x3  }
0x94: {  	_ =	strace s3  }
0x95: {  	s3 =	sld [smem:$0x3FFD];
	_ =	sdelay $0x3  }
0x96: {  	_ =	strace s3  }
0x97: {  	_ =	strace $0x8FFFFFFF  }
0x98: {  	s19 =	sld [smem:$0x3FDB];
	_ =	sdelay $0x1  }
0x99: {  	s4 =	simm.s32 $_scs_section_size  }
0x9a: {  	s5 =	simm.s32 $_size__tile_overlayer_lowered;
	s6 =	simm.s32 $_tile_overlayer_lowered  }
0x9b: {  	s22 =	simm.s32 $0x1BFF;
	s21 =	sshll.u32 s6, $0x1;
	s3 =	sadd.s32 s4, s19  }
0x9c: {  	s7 =	simm.s32 $0x0;
	s20 =	sshll.u32 s5, $0x1;
	s5 =	sadd.s32 s21, s3  }
0x9d: {  	[timem:s7], [sflag:s22] =	dma.local [hbm:s5], s20  }
0x9e: {  	_ =	swait.ge [sflag:s22], s20  }
0x9f: {  	s4 =	ssub.s32 $0x0, s20;
	[sflag:s22] =	ssyncset.done $0x0  }
0xa0: {  	[sflag:s22] =	ssyncadd.s32 s4;
	_ =	sdelay $0x1  }
0xa1: {  	s23 =	simm.s32 $0x1B8B  }
0xa2: {  	_ =	swait.ge [sflag:s23], $0x1  }
0xa3: {  	[sflag:s23] =	ssyncset.done $0x0  }
0xa4: {  	s25 =	simm.s32 $0x1B8E;
	s24 =	sld [smem:$0x3FFE];
	[sflag:s23] =	ssyncadd.s32 $0xFFFFFFFF  }
0xa5: {  	s26 =	simm.s32 $execute0_lowered;
	[smem:$0x3FD2] =	sst s25  }
0xa6: {  	s5 =	sshll.u32 s26, $0x1;
	_ =	strace $0x80000049;
	[dreg:$0x1] =	wrdreg $0xFFFFFFFF  }
0xa7: {  	s28 =	simm.s32 $_size_execute0_lowered;
	s3 =	sadd.s32 s3, s5;
	[dreg:$0x0] =	wrdreg $0x0  }
0xa8: {  	s5 =	sshll.u32 s28, $0x1;
	[dreg:$0x2] =	wrdreg s3  }
0xa9: {  	[dreg:$0x3] =	wrdreg s5  }
0xaa: {  	[dreg:$0x4] =	wrdreg $0xC0  }
0xab: {  	_ =	task [dreg:s7], $0x5FFFF  }
0xac: {  	[dreg:$0x1] =	wrdreg $0xFFFFFFFF  }
0xad: {  	[dreg:$0x0] =	wrdreg $0x60  }
0xae: {  	[dreg:$0x2] =	wrdreg s24  }
0xaf: {  	[dreg:$0x3] =	wrdreg s2  }
0xb0: {  	[dreg:$0x4] =	wrdreg $0x9  }
0xb1: {  	_ =	task.clear_ibuf [dreg:s7], $0x5FFFF;
	_ =	strace $0x90000049  }
0xb2: {  	s29 =	simm.s32 $0x9;
	_ =	strace $0x8000004B  }
0xb3: {  	_ =	swait.ge [sflag:s29], $0x1  }
0xb4: {  	[sflag:s29] =	ssyncadd.s32 $0xFFFFFFFF  }
0xb5: {  	_ =	strace $0x9000004B  }
0xb6: {  	_ =	sfence  }
0xb7: {  	s30 =	sld [smem:$0x0];
	_ =	sdelay $0x2  }
0xb8: {  	s31 =	sshll.u32 s1, $0xD;
	s1 =	sshrl.u32 s1, $0x2  }
0xb9: {  	s3 =	sand.u32 $0x4000, s31;
	s1 =	sadd.s32 s1, s30  }
0xba: {  	s0 =	sor.u32 s3, s0;
	s1 =	sshll.u32 s1, $0x11  }
0xbb: {  	s0 =	sor.u32 s1, s0  }
0xbc: {  	s0 =	sadd.s32 $0x8F2B, s0  }
0xbd: {  	[sflag:s0] =	ssyncadd.remote.s32 $0x1  }
0xbe: {  	_ =	sfence.sel $0xFFFF  }
0xbf: {  	[dreg:$0x0] =	wrdreg $0xFFFFFFFF;
	(pc) =	sbr.abs _section_cstart, $3  }
0xc0: {  	[dreg:$0x1] =	wrdreg $0xFFFFFFFF  }
0xc1: {  	_ =	task.clear_ibuf [dreg:s7], $0x2FFFF;
	_ =	strace $0x9FFFFFFF  }
0xc2: {  	(tm) =	ssettm $0x7FFFFFFF  }
0xc3: {  	_ =	shalt  }
tec
execute0_lowered:
.L_overlay_start_1:
0x0: {  	(tag) =	ssettag $0x1  }
0x1: {  	s0 =	rddreg [dreg:$0x0]  }
0x2: {  	s1 =	rddreg [dreg:$0x1]  }
0x3: {  	s4 =	simm.s32 $0x0;
	s2 =	srdreg.scid;
	s3 =	stileid.u32  }
0x4: {  	s10 =	simm.s32 $0x80;
	s17 =	simm.s32 $0x400;
	s18 =	simm.s32 $0x20000  }
0x5: {  	s20 =	simm.s32 $0x6;
	s2 =	sand.u32 $0x1, s2;
	s3 =	sshll.u32 s3, $0x1  }
0x6: {  	v0 =	vlaneseq.u32;
	s21 =	simm.s32 $0x7;
	s22 =	simm.s32 $0x8;
	s29 =	sor.u32 s2, s3  }
0x7: {  	[smem:$0x7FF] =	sst s4;
	v0 =	vmul.u32 $0x20, v0;
	s2 =	ssub.s32 $0x2, s2;
	s5 =	sshll.u32 s29, $0x6  }
0x8: {  	s3 =	sadd.s32 $0xA00, s0;
	s30 =	sshrl.u32 s2, $0x1;
	s0 =	sadd.s32 s5, s0  }
0x9: {  	_ =	strace $0x8000004A;
	v1 =	vor.u32 $0x200, v0;
	s2 =	ssub.s32 s2, s30;
	s0 =	sadd.s32 $0x3D1400, s0  }
0xa: {  	s4 =	sshll.u32 s29, $0x9;
	v2 =	vor.u32 $0x400, v0;
	v3 =	vor.u32 $0x600, v0;
	v4 =	vor.u32 $0x800, v0;
	s31 =	smax.u32 s2, $0x1;
	[dreg:$0x3] =	wrdreg s0  }
0xb: {  	s23 =	simm.s32 $0x0;
	v5 =	vor.u32 $0xA00, v0;
	v6 =	vor.u32 $0xC00, v0;
	v7 =	vor.u32 $0xE00, v0;
	s5 =	sadd.s32 s1, s4;
	[dreg:$0x4] =	wrdreg s31  }
.LBB2_1:
0xc: {  	s0 =	simm.s32 $0x0;
	s1 =	rddreg [dreg:$0x3]  }
0xd: {  	s2 =	simm.s32 $0x200;
	s4 =	simm.s32 $0x4000;
	s24 =	simm.s32 $0x9  }
0xe: {  	[tilespmem:s0], [sflag:$0x9] =	stream.strided.gather [hbm4b:s1+s2], $0x3400, s4, s2, $0x38;
	[tilespmem:$0xB400] =	vst v63  }
0xf: {  	_ =	swait.ge [sflag:s24], $0x3400  }
0x10: {  	[sflag:s24] =	ssyncset.done $0x0  }
0x11: {  	s25 =	simm.s32 $0x3400;
	[sflag:s24] =	ssyncadd.s32 $0xFFFFCC00  }
0x12: {  	[tilespmem:s25], [sflag:$0x1] =	stream.indirect.gather [hbm4b:s3+s10], $0x20, s0, s10, $0xb8;
	[tilespmem:$0xB400] =	vst v63  }
0x13: {  	s26 =	simm.s32 $0x4400  }
0x14: {  	[tilespmem:s26], [sflag:$0x2] =	stream.indirect.gather [hbm4b:s3+s10], $0x20, s10, s10, $0xb8;
	[tilespmem:$0xB400] =	vst v63  }
0x15: {  	s28 =	simm.s32 $0x100;
	s29 =	simm.s32 $0x5400;
	s30 =	simm.s32 $0x180  }
0x16: {  	[tilespmem:s29], [sflag:$0x3] =	stream.indirect.gather [hbm4b:s3+s10], $0x20, s28, s10, $0xb8;
	[tilespmem:$0xB400] =	vst v63  }
0x17: {  	s31 =	simm.s32 $0x6400;
	s24 =	simm.s32 $0x0;
	s25 =	simm.s32 $0x0  }
0x18: {  	[tilespmem:s31], [sflag:$0x4] =	stream.indirect.gather [hbm4b:s3+s10], $0x20, s30, s10, $0xb8;
	[tilespmem:$0xB400] =	vst v63  }
.LBB2_2:
0x19: {  	s0 =	simm.s32 $0x0  }
0x1a: {  	s14 =	simm.s32 $0x1;
	v8 =	vmov s0  }
0x1b: {  	s28 =	sand.u32 $0x3, s25;
	v9 =	vmov s14;
	v8 =	vand.u32 $0x1C, v8  }
0x1c: {  	s26 =	sadd.s32 $0x1, s28;
	v16 =	vbroadcast v8, $0x0;
	v8 =	vand.u32 $0x1D, v9  }
0x1d: {  	_ =	swait.ge [sflag:s26], $0x1000;
	v18 =	vbroadcast v8, $0x0  }
0x1e: {  	p0 =	slt.u32 s25, $0x4;
	[sflag:s26] =	ssyncset.done $0x0;
	v8 =	vor.u32 v0, v16  }
0x1f: {  	s0 =	sadd.s32 @!p0 $0x5, s28;
	[sflag:s26] =	ssyncadd.s32 $0xFFFFF000;
	v9 =	vor.u32 v0, v18  }
0x20: {  	_ =	swait.ge @!p0 [sflag:s0], $0x1000  }
0x21: {  	s14 =	sshll.u32 s28, $0xC;
	[sflag:s0] =	ssyncset.done @!p0 $0x0  }
0x22: {  	s29 =	sadd.s32 $0x3400, s14;
	[sflag:s0] =	ssyncadd.s32 @!p0 $0xFFFFF000  }
0x23: {  	v10 =	vld.idx.msk [tilespmem:v8+s29+$0x0], $0xffff  }
0x24: {  	s15 =	simm.s32 $0x2;
	v11 =	vor.u32 v1, v16;
	v8 =	vmov s14;
	v9 =	vld.idx.msk [tilespmem:v9+s29+$0x0], $0xffff  }
0x25: {  	s1 =	sand.u32 $0x3, s24;
	s16 =	simm.s32 $0x0;
	v12 =	vmov s15;
	v13 =	vor.u32 v1, v18  }
0x26: {  	s2 =	simm.s32 $0x80;
	s1 =	sshll.u32 s1, $0xC;
	v12 =	vand.u32 $0x1E, v12;
	s0 =	sand.u32 $0xC00, s16  }
0x27: {  	s19 =	sand.u32 $0x280, s2;
	s31 =	sadd.s32 $0x7440, s1;
	v17 =	vbroadcast v12, $0x0;
	s0 =	sadd.s32 $0x7400, s0  }
0x28: {  	s2 =	simm.s32 $0x3;
	s15 =	sor.u32 s19, s0;
	[tilespmem:s31+$0xFFFFFFC0] =	vst v10  }
0x29: {  	v10 =	vor.u32 v0, v17;
	[tilespmem:v8+s15+$0x0 ss:$0x1] =	vst.idx.msk $0xffff, v9;
	v9 =	vld.idx.msk [tilespmem:v11+s29+$0x0], $0xffff;
	v11 =	vmov s2  }
0x2a: {  	v12 =	vld.idx.msk [tilespmem:v13+s29+$0x0], $0xffff;
	v13 =	vor.u32 v2, v16;
	v11 =	vand.u32 $0x1F, v11  }
0x2b: {  	v14 =	vor.u32 v2, v18;
	v19 =	vbroadcast v11, $0x0;
	_ =	sdelay $0x1  }
0x2c: {  	s6 =	simm.s32 $0x5;
	v15 =	vor.u32 v0, v19  }
0x2d: {  	v11 =	vmov s6;
	v10 =	vld.idx.msk [tilespmem:v10+s29+$0x0], $0xffff;
	[tilespmem:s31+$0xFFFFFFD0] =	vst v9  }
0x2e: {  	s4 =	simm.s32 $0x4;
	v20 =	vor.u32 v1, v17;
	v11 =	vand.u32 $0x1D, v11;
	[tilespmem:v8+s15+$0x10 ss:$0x1] =	vst.idx.msk $0xffff, v12;
	v12 =	vld.idx.msk [tilespmem:v13+s29+$0x0], $0xffff  }
0x2f: {  	s7 =	simm.s32 $0x100;
	s8 =	simm.s32 $0x6;
	v11 =	vbroadcast v11, $0x0;
	v9 =	vmov s4;
	v13 =	vld.idx.msk [tilespmem:v14+s29+$0x0], $0xffff;
	v14 =	vor.u32 v3, v16  }
0x30: {  	v22 =	vmov s8;
	v21 =	vor.u32 v3, v18;
	s2 =	sand.u32 $0x300, s7;
	v9 =	vand.u32 $0x1C, v9  }
0x31: {  	v22 =	vand.u32 $0x1E, v22;
	s8 =	sor.u32 s2, s0;
	v24 =	vor.u32 v0, v11;
	v9 =	vbroadcast v9, $0x0;
	v15 =	vld.idx.msk [tilespmem:v15+s29+$0x0], $0xffff  }
0x32: {  	[tilespmem:v8+s8+$0x0 ss:$0x1] =	vst.idx.msk $0xffff, v10;
	v10 =	vbroadcast v22, $0x0;
	v22 =	vor.u32 v1, v19  }
0x33: {  	s9 =	simm.s32 $0x180;
	v23 =	vor.u32 v0, v9;
	v20 =	vld.idx.msk [tilespmem:v20+s29+$0x0], $0xffff;
	[tilespmem:s31+$0xFFFFFFE0] =	vst v12  }
0x34: {  	s1 =	sand.u32 $0x380, s9;
	v12 =	vor.u32 v0, v10;
	[tilespmem:v8+s15+$0x20 ss:$0x1] =	vst.idx.msk $0xffff, v13;
	v13 =	vld.idx.msk [tilespmem:v14+s29+$0x0], $0xffff  }
0x35: {  	s7 =	sor.u32 s1, s0;
	v14 =	vld.idx.msk [tilespmem:v21+s29+$0x0], $0xffff;
	v21 =	vor.u32 v4, v16  }
0x36: {  	v25 =	vor.u32 v4, v18;
	v24 =	vld.idx.msk [tilespmem:v24+s29+$0x0], $0xffff;
	[tilespmem:v8+s7+$0x0 ss:$0x1] =	vst.idx.msk $0xffff, v15  }
0x37: {  	v15 =	vor.u32 v2, v17;
	v22 =	vld.idx.msk [tilespmem:v22+s29+$0x0], $0xffff  }
0x38: {  	v26 =	vor.u32 v2, v19;
	v23 =	vld.idx.msk [tilespmem:v23+s29+$0x0], $0xffff  }
0x39: {  	v27 =	vor.u32 v1, v9;
	v12 =	vld.idx.msk [tilespmem:v12+s29+$0x0], $0xffff;
	[tilespmem:s31+$0xFFFFFFF0] =	vst v13  }
0x3a: {  	s11 =	simm.s32 $0x200;
	v13 =	vor.u32 v1, v11;
	[tilespmem:v8+s15+$0x30 ss:$0x1] =	vst.idx.msk $0xffff, v14;
	v14 =	vld.idx.msk [tilespmem:v21+s29+$0x0], $0xffff  }
0x3b: {  	s12 =	simm.s32 $0x280;
	s0 =	sand.u32 $0xC00, s11;
	[tilespmem:v8+s8+$0x10 ss:$0x1] =	vst.idx.msk $0xffff, v20;
	v21 =	vor.u32 v5, v16;
	v20 =	vld.idx.msk [tilespmem:v25+s29+$0x0], $0xffff  }
0x3c: {  	s30 =	sadd.s32 $0x200, s31;
	s1 =	sand.u32 $0x280, s12;
	s13 =	sadd.s32 $0x7400, s0;
	v25 =	vor.u32 v1, v10;
	v15 =	vld.idx.msk [tilespmem:v15+s29+$0x0], $0xffff;
	[tilespmem:v8+s7+$0x10 ss:$0x1] =	vst.idx.msk $0xffff, v22  }
0x3d: {  	s16 =	simm.s32 $0x300;
	s1 =	sor.u32 s1, s13;
	[tilespmem:s30+$0xFFFFFFC0] =	vst v23;
	v22 =	vor.u32 v3, v17;
	v23 =	vld.idx.msk [tilespmem:v26+s29+$0x0], $0xffff  }
0x3e: {  	s0 =	sand.u32 $0x300, s16;
	[tilespmem:v8+s1+$0x0 ss:$0x1] =	vst.idx.msk $0xffff, v24;
	v24 =	vld.idx.msk [tilespmem:v27+s29+$0x0], $0xffff;
	v26 =	vor.u32 v3, v19  }
0x3f: {  	s0 =	sor.u32 s0, s13;
	s4 =	simm.s32 $0x7;
	v13 =	vld.idx.msk [tilespmem:v13+s29+$0x0], $0xffff;
	[tilespmem:s31+$0x0] =	vst v14;
	v14 =	vor.u32 v5, v18  }
0x40: {  	v28 =	vor.u32 v2, v11;
	v27 =	vmov s4;
	[tilespmem:v8+s0+$0x0 ss:$0x1] =	vst.idx.msk $0xffff, v12;
	v21 =	vld.idx.msk [tilespmem:v21+s29+$0x0], $0xffff  }
0x41: {  	v12 =	vand.u32 $0x1F, v27;
	v25 =	vld.idx.msk [tilespmem:v25+s29+$0x0], $0xffff;
	[tilespmem:v8+s8+$0x20 ss:$0x1] =	vst.idx.msk $0xffff, v15;
	v15 =	vor.u32 v2, v9  }
0x42: {  	v12 =	vbroadcast v12, $0x0;
	v22 =	vld.idx.msk [tilespmem:v22+s29+$0x0], $0xffff;
	[tilespmem:v8+s7+$0x20 ss:$0x1] =	vst.idx.msk $0xffff, v23;
	v23 =	vor.u32 v6, v16  }
0x43: {  	v29 =	vor.u32 v4, v17;
	[tilespmem:v8+s15+$0x40 ss:$0x1] =	vst.idx.msk $0xffff, v20;
	v20 =	vld.idx.msk [tilespmem:v26+s29+$0x0], $0xffff  }
0x44: {  	s19 =	simm.s32 $0x8;
	v26 =	vor.u32 v0, v12;
	[tilespmem:v8+s1+$0x10 ss:$0x1] =	vst.idx.msk $0xffff, v13;
	v27 =	vld.idx.msk [tilespmem:v14+s29+$0x0], $0xffff  }
0x45: {  	s6 =	simm.s32 $0x9;
	v30 =	vor.u32 v4, v19;
	[tilespmem:s30+$0xFFFFFFD0] =	vst v24;
	v13 =	vmov s19;
	v24 =	vld.idx.msk [tilespmem:v28+s29+$0x0], $0xffff  }
0x46: {  	v13 =	vand.u32 $0x1C, v13;
	v14 =	vmov s6;
	v28 =	vor.u32 v3, v11;
	[tilespmem:s31+$0x10] =	vst v21;
	v21 =	vld.idx.msk [tilespmem:v15+s29+$0x0], $0xffff  }
0x47: {  	s9 =	simm.s32 $0xA;
	v31 =	vor.u32 v6, v18;
	v13 =	vbroadcast v13, $0x0;
	v14 =	vand.u32 $0x1D, v14;
	[tilespmem:v8+s8+$0x30 ss:$0x1] =	vst.idx.msk $0xffff, v22;
	v23 =	vld.idx.msk [tilespmem:v23+s29+$0x0], $0xffff  }
0x48: {  	v15 =	vmov s9;
	v14 =	vbroadcast v14, $0x0;
	v22 =	vor.u32 v3, v9;
	v29 =	vld.idx.msk [tilespmem:v29+s29+$0x0], $0xffff  }
0x49: {  	v15 =	vand.u32 $0x1E, v15;
	v26 =	vld.idx.msk [tilespmem:v26+s29+$0x0], $0xffff;
	[tilespmem:v8+s7+$0x30 ss:$0x1] =	vst.idx.msk $0xffff, v20;
	v20 =	vor.u32 v0, v13  }
0x4a: {  	v15 =	vbroadcast v15, $0x0;
	v32 =	vor.u32 v0, v14;
	[tilespmem:v8+s1+$0x20 ss:$0x1] =	vst.idx.msk $0xffff, v24;
	v24 =	vld.idx.msk [tilespmem:v30+s29+$0x0], $0xffff  }
0x4b: {  	v30 =	vor.u32 v1, v12;
	[tilespmem:v8+s15+$0x50 ss:$0x1] =	vst.idx.msk $0xffff, v27;
	v28 =	vld.idx.msk [tilespmem:v28+s29+$0x0], $0xffff  }
0x4c: {  	s11 =	simm.s32 $0x380;
	v27 =	vor.u32 v0, v15;
	[tilespmem:s30+$0xFFFFFFE0] =	vst v21;
	v21 =	vld.idx.msk [tilespmem:v31+s29+$0x0], $0xffff  }
0x4d: {  	s4 =	sand.u32 $0x380, s11;
	[tilespmem:v8+s0+$0x10 ss:$0x1] =	vst.idx.msk $0xffff, v25;
	v25 =	vor.u32 v4, v11;
	v22 =	vld.idx.msk [tilespmem:v22+s29+$0x0], $0xffff  }
0x4e: {  	s11 =	sor.u32 s4, s13;
	v18 =	vor.u32 v7, v18;
	[tilespmem:v8+s8+$0x40 ss:$0x1] =	vst.idx.msk $0xffff, v29;
	v20 =	vld.idx.msk [tilespmem:v20+s29+$0x0], $0xffff  }
0x4f: {  	v29 =	vor.u32 v5, v17;
	[tilespmem:v8+s11+$0x0 ss:$0x1] =	vst.idx.msk $0xffff, v26;
	v26 =	vld.idx.msk [tilespmem:v32+s29+$0x0], $0xffff  }
0x50: {  	v31 =	vor.u32 v5, v19;
	v30 =	vld.idx.msk [tilespmem:v30+s29+$0x0], $0xffff;
	[tilespmem:v8+s7+$0x40 ss:$0x1] =	vst.idx.msk $0xffff, v24  }
0x51: {  	s12 =	simm.s32 $0x400;
	v24 =	vld.idx.msk [tilespmem:v27+s29+$0x0], $0xffff;
	v27 =	vor.u32 v4, v9;
	[tilespmem:v8+s1+$0x30 ss:$0x1] =	vst.idx.msk $0xffff, v28  }
0x52: {  	s2 =	sand.u32 $0xC00, s12;
	s13 =	simm.s32 $0x480;
	v28 =	vor.u32 v1, v13;
	[tilespmem:v8+s15+$0x60 ss:$0x1] =	vst.idx.msk $0xffff, v21;
	v25 =	vld.idx.msk [tilespmem:v25+s29+$0x0], $0xffff  }
0x53: {  	s12 =	sadd.s32 $0x200, s30;
	s16 =	sadd.s32 $0x7400, s2;
	s4 =	sand.u32 $0x280, s13;
	v21 =	vor.u32 v2, v10;
	[tilespmem:s30+$0xFFFFFFF0] =	vst v22;
	v18 =	vld.idx.msk [tilespmem:v18+s29+$0x0], $0xffff  }
0x54: {  	s13 =	sor.u32 s4, s16;
	v22 =	vor.u32 v1, v14;
	[tilespmem:s12+$0xFFFFFFC0] =	vst v20;
	v20 =	vld.idx.msk [tilespmem:v29+s29+$0x0], $0xffff  }
0x55: {  	[tilespmem:v8+s13+$0x0 ss:$0x1] =	vst.idx.msk $0xffff, v26;
	v26 =	vor.u32 v2, v12;
	v29 =	vld.idx.msk [tilespmem:v31+s29+$0x0], $0xffff  }
0x56: {  	v16 =	vor.u32 v7, v16;
	[tilespmem:s31+$0x20] =	vst v23;
	v27 =	vld.idx.msk [tilespmem:v27+s29+$0x0], $0xffff  }
0x57: {  	v23 =	vor.u32 v6, v17;
	[tilespmem:v8+s11+$0x10 ss:$0x1] =	vst.idx.msk $0xffff, v30;
	v31 =	vld.idx.msk [tilespmem:v28+s29+$0x0], $0xffff  }
0x58: {  	v28 =	vor.u32 v5, v9;
	v21 =	vld.idx.msk [tilespmem:v21+s29+$0x0], $0xffff;
	[tilespmem:v8+s1+$0x40 ss:$0x1] =	vst.idx.msk $0xffff, v25  }
0x59: {  	v30 =	vor.u32 v6, v19;
	v22 =	vld.idx.msk [tilespmem:v22+s29+$0x0], $0xffff;
	[tilespmem:v8+s15+$0x70 ss:$0x1] =	vst.idx.msk $0xffff, v18  }
0x5a: {  	v25 =	vor.u32 v1, v15;
	s15 =	simm.s32 $0x500;
	v26 =	vld.idx.msk [tilespmem:v26+s29+$0x0], $0xffff;
	[tilespmem:v8+s8+$0x50 ss:$0x1] =	vst.idx.msk $0xffff, v20  }
0x5b: {  	v18 =	vor.u32 v3, v10;
	s2 =	sand.u32 $0x300, s15;
	[tilespmem:v8+s7+$0x50 ss:$0x1] =	vst.idx.msk $0xffff, v29;
	v20 =	vld.idx.msk [tilespmem:v16+s29+$0x0], $0xffff  }
0x5c: {  	v34 =	vor.u32 v5, v11;
	s15 =	sor.u32 s2, s16;
	v23 =	vld.idx.msk [tilespmem:v23+s29+$0x0], $0xffff;
	[tilespmem:s30+$0x0] =	vst v27  }
0x5d: {  	v29 =	vor.u32 v3, v12;
	[tilespmem:v8+s15+$0x0 ss:$0x1] =	vst.idx.msk $0xffff, v24;
	v24 =	vld.idx.msk [tilespmem:v28+s29+$0x0], $0xffff  }
0x5e: {  	v63 =	vor.u32 v7, v17;
	s19 =	simm.s32 $0xB;
	[tilespmem:v8+s0+$0x20 ss:$0x1] =	vst.idx.msk $0xffff, v21;
	v28 =	vld.idx.msk [tilespmem:v30+s29+$0x0], $0xffff  }
0x5f: {  	v35 =	vor.u32 v2, v14;
	v16 =	vmov s19;
	[tilespmem:s12+$0xFFFFFFD0] =	vst v31;
	v33 =	vld.idx.msk [tilespmem:v25+s29+$0x0], $0xffff  }
0x60: {  	v17 =	vor.u32 v4, v12;
	v16 =	vand.u32 $0x1F, v16;
	[tilespmem:v8+s13+$0x10 ss:$0x1] =	vst.idx.msk $0xffff, v22;
	v27 =	vld.idx.msk [tilespmem:v18+s29+$0x0], $0xffff  }
0x61: {  	v16 =	vbroadcast v16, $0x0;
	v30 =	vor.u32 v2, v13;
	v22 =	vld.idx.msk [tilespmem:v34+s29+$0x0], $0xffff;
	[tilespmem:v8+s11+$0x20 ss:$0x1] =	vst.idx.msk $0xffff, v26  }
0x62: {  	v21 =	vor.u32 v6, v9;
	v18 =	vor.u32 v2, v15;
	v26 =	vld.idx.msk [tilespmem:v29+s29+$0x0], $0xffff;
	[tilespmem:v8+s8+$0x60 ss:$0x1] =	vst.idx.msk $0xffff, v23  }
0x63: {  	v31 =	vor.u32 v0, v16;
	v23 =	vor.u32 v7, v19;
	v25 =	vld.idx.msk [tilespmem:v63+s29+$0x0], $0xffff;
	[tilespmem:s30+$0x10] =	vst v24  }
0x64: {  	s14 =	sadd.s32 $0x7400, s14;
	s4 =	simm.s32 $0xC;
	s2 =	simm.s32 $0x580;
	v19 =	vor.u32 v4, v16;
	v29 =	vor.u32 v4, v10;
	v24 =	vld.idx.msk [tilespmem:v35+s29+$0x0], $0xffff;
	[tilespmem:v8+s15+$0x10 ss:$0x1] =	vst.idx.msk $0xffff, v33  }
.LBB2_3:
0x65: {  	s9 =	sadd.s32 $0x1, s4  }
0x66: {  	v32 =	vmov s4;
	p0 =	slt.u32 s4, $0x1C;
	v30 =	vld.idx.msk [tilespmem:v30+s29+$0x0], $0xffff;
	v33 =	vor.u32 v6, v11;
	[tilespmem:v8+s0+$0x30 ss:$0x1] =	vst.idx.msk $0xffff, v27;
	s6 =	smov.u32 s4;
	s4 =	sadd.s32 $0x4, s4  }
0x67: {  	v34 =	vor.u32 v3, v14;
	v27 =	vand.u32 $0x1C, v32;
	v32 =	vmov s9;
	s9 =	sadd.s32 $0x2, s6;
	v21 =	vld.idx.msk [tilespmem:v21+s29+$0x0], $0xffff;
	[tilespmem:v8+s7+$0x60 ss:$0x1] =	vst.idx.msk $0xffff, v28  }
0x68: {  	v27 =	vbroadcast v27, $0x0;
	v28 =	vand.u32 $0x1D, v32;
	v32 =	vmov s9;
	[tilespmem:v8+s11+$0x30 ss:$0x1] =	vst.idx.msk $0xffff, v26;
	v23 =	vld.idx.msk [tilespmem:v23+s29+$0x0], $0xffff  }
0x69: {  	v26 =	vbroadcast v28, $0x0;
	v28 =	vand.u32 $0x1E, v32;
	v32 =	vor.u32 v3, v13;
	v31 =	vld.idx.msk [tilespmem:v31+s29+$0x0], $0xffff;
	[tilespmem:v8+s8+$0x70 ss:$0x1] =	vst.idx.msk $0xffff, v25;
	s8 =	smov.u32 s0;
	s0 =	smov.u32 s15  }
0x6a: {  	v25 =	vor.u32 v0, v27;
	v28 =	vbroadcast v28, $0x0;
	v29 =	vld.idx.msk [tilespmem:v29+s29+$0x0], $0xffff;
	[tilespmem:s31+$0x30] =	vst v20;
	s31 =	smov.u32 s30;
	s30 =	smov.u32 s12  }
0x6b: {  	v20 =	vor.u32 v0, v26;
	[tilespmem:v8+s13+$0x20 ss:$0x1] =	vst.idx.msk $0xffff, v24;
	v24 =	vld.idx.msk [tilespmem:v17+s29+$0x0], $0xffff;
	v17 =	vmov v19  }
0x6c: {  	v35 =	vor.u32 v1, v16;
	v19 =	vor.u32 v0, v28;
	v34 =	vld.idx.msk [tilespmem:v34+s29+$0x0], $0xffff;
	[tilespmem:v8+s1+$0x50 ss:$0x1] =	vst.idx.msk $0xffff, v22  }
0x6d: {  	s9 =	sand.u32 $0x380, s2;
	[tilespmem:s12+$0xFFFFFFE0] =	vst v30;
	v22 =	vld.idx.msk [tilespmem:v33+s29+$0x0], $0xffff  }
0x6e: {  	v30 =	vld.idx.msk [tilespmem:v32+s29+$0x0], $0xffff;
	v32 =	vor.u32 v4, v14;
	[tilespmem:v8+s7+$0x70 ss:$0x1] =	vst.idx.msk $0xffff, v23;
	s7 =	smov.u32 s11;
	s11 =	sor.u32 s9, s16  }
0x6f: {  	v23 =	vld.idx.msk [tilespmem:v25+s29+$0x0], $0xffff;
	[tilespmem:v8+s11+$0x0 ss:$0x1] =	vst.idx.msk $0xffff, v31;
	v25 =	vor.u32 v7, v11;
	v11 =	vmov v14;
	v14 =	vmov v26  }
0x70: {  	v26 =	vor.u32 v5, v10;
	v20 =	vld.idx.msk [tilespmem:v20+s29+$0x0], $0xffff;
	[tilespmem:v8+s8+$0x40 ss:$0x1] =	vst.idx.msk $0xffff, v29;
	v29 =	vor.u32 v5, v12  }
0x71: {  	s2 =	sadd.s32 $0x200, s2;
	v31 =	vor.u32 v1, v27;
	v33 =	vld.idx.msk [tilespmem:v35+s29+$0x0], $0xffff;
	[tilespmem:v8+s7+$0x40 ss:$0x1] =	vst.idx.msk $0xffff, v24  }
0x72: {  	s9 =	sadd.s32 $0xFFFFFE80, s2;
	v24 =	vor.u32 v1, v14;
	v35 =	vor.u32 v4, v13;
	v19 =	vld.idx.msk [tilespmem:v19+s29+$0x0], $0xffff;
	[tilespmem:v8+s13+$0x30 ss:$0x1] =	vst.idx.msk $0xffff, v34  }
0x73: {  	s15 =	sadd.s32 $0xFFFFFF00, s2;
	s12 =	sadd.s32 $0x200, s12;
	s9 =	sand.u32 $0xC00, s9;
	v34 =	vor.u32 v1, v28;
	v32 =	vld.idx.msk [tilespmem:v32+s29+$0x0], $0xffff;
	[tilespmem:v8+s1+$0x60 ss:$0x1] =	vst.idx.msk $0xffff, v22  }
0x74: {  	s15 =	sand.u32 $0x280, s15;
	s16 =	sadd.s32 $0x7400, s9;
	s9 =	sadd.s32 $0xFFFFFF80, s2;
	[tilespmem:s30+$0xFFFFFFF0] =	vst v30;
	v22 =	vld.idx.msk [tilespmem:v25+s29+$0x0], $0xffff  }
0x75: {  	s19 =	sor.u32 s15, s16;
	s9 =	sand.u32 $0x300, s9;
	[tilespmem:s12+$0xFFFFFFC0] =	vst v23;
	v23 =	vld.idx.msk [tilespmem:v26+s29+$0x0], $0xffff  }
0x76: {  	s15 =	sor.u32 s9, s16;
	[tilespmem:v8+s19+$0x0 ss:$0x1] =	vst.idx.msk $0xffff, v20;
	v20 =	vor.u32 v2, v16;
	v25 =	vld.idx.msk [tilespmem:v29+s29+$0x0], $0xffff  }
0x77: {  	v26 =	vld.idx.msk [tilespmem:v35+s29+$0x0], $0xffff;
	[tilespmem:s31+$0x20] =	vst v21;
	v21 =	vor.u32 v6, v10  }
0x78: {  	v30 =	vor.u32 v7, v9;
	v9 =	vmov v13;
	v13 =	vmov v27;
	v29 =	vld.idx.msk [tilespmem:v31+s29+$0x0], $0xffff;
	[tilespmem:v8+s11+$0x10 ss:$0x1] =	vst.idx.msk $0xffff, v33  }
0x79: {  	v27 =	vor.u32 v5, v9;
	v33 =	vor.u32 v2, v14;
	[tilespmem:v8+s13+$0x40 ss:$0x1] =	vst.idx.msk $0xffff, v32;
	v31 =	vld.idx.msk [tilespmem:v18+s29+$0x0], $0xffff  }
0x7a: {  	v18 =	vor.u32 v2, v28;
	v24 =	vld.idx.msk [tilespmem:v24+s29+$0x0], $0xffff;
	[tilespmem:v8+s1+$0x70 ss:$0x1] =	vst.idx.msk $0xffff, v22;
	s1 =	smov.u32 s13;
	s13 =	smov.u32 s19  }
0x7b: {  	v35 =	vor.u32 v6, v12;
	v22 =	vor.u32 v3, v15;
	v32 =	vld.idx.msk [tilespmem:v20+s29+$0x0], $0xffff;
	[tilespmem:v8+s8+$0x50 ss:$0x1] =	vst.idx.msk $0xffff, v23  }
0x7c: {  	v36 =	vld.idx.msk [tilespmem:v21+s29+$0x0], $0xffff;
	[tilespmem:v8+s7+$0x50 ss:$0x1] =	vst.idx.msk $0xffff, v25  }
0x7d: {  	v25 =	vor.u32 v3, v16;
	[tilespmem:s30+$0x0] =	vst v26;
	v20 =	vld.idx.msk [tilespmem:v30+s29+$0x0], $0xffff  }
0x7e: {  	[tilespmem:v8+s15+$0x0 ss:$0x1] =	vst.idx.msk $0xffff, v19;
	v37 =	vld.idx.msk [tilespmem:v27+s29+$0x0], $0xffff;
	v19 =	vor.u32 v7, v10;
	v10 =	vmov v15;
	v15 =	vmov v28  }
0x7f: {  	s6 =	sadd.s32 $0x3, s6;
	v38 =	vor.u32 v5, v11;
	v34 =	vld.idx.msk [tilespmem:v34+s29+$0x0], $0xffff;
	[tilespmem:v8+s0+$0x20 ss:$0x1] =	vst.idx.msk $0xffff, v31  }
0x80: {  	v23 =	vor.u32 v7, v12;
	v12 =	vmov v16;
	v21 =	vmov s6;
	[tilespmem:v8+s13+$0x10 ss:$0x1] =	vst.idx.msk $0xffff, v24;
	v27 =	vld.idx.msk [tilespmem:v22+s29+$0x0], $0xffff  }
.Ltmp0:
0x81: {  	v30 =	vor.u32 v2, v13;
	v16 =	vand.u32 $0x1F, v21;
	[tilespmem:v8+s11+$0x20 ss:$0x1] =	vst.idx.msk $0xffff, v32;
	v28 =	vld.idx.msk [tilespmem:v35+s29+$0x0], $0xffff;
	(pc) =	sbr.rel @p0 .LBB2_3-.Ltmp0, $4  }
0x82: {  	v21 =	vor.u32 v6, v9;
	v16 =	vbroadcast v16, $0x0;
	v26 =	vld.idx.msk [tilespmem:v25+s29+$0x0], $0xffff;
	[tilespmem:v8+s8+$0x60 ss:$0x1] =	vst.idx.msk $0xffff, v36  }
0x83: {  	[tilespmem:s12+$0xFFFFFFD0] =	vst v29;
	v25 =	vld.idx.msk [tilespmem:v19+s29+$0x0], $0xffff  }
0x84: {  	v31 =	vor.u32 v0, v16;
	v19 =	vor.u32 v4, v16;
	[tilespmem:s30+$0x10] =	vst v37;
	v22 =	vld.idx.msk [tilespmem:v38+s29+$0x0], $0xffff  }
0x85: {  	v29 =	vor.u32 v4, v10;
	v24 =	vld.idx.msk [tilespmem:v33+s29+$0x0], $0xffff;
	[tilespmem:v8+s15+$0x10 ss:$0x1] =	vst.idx.msk $0xffff, v34  }
0x86: {  	_ =	sdelay $0x3  }
0x87: {  	v31 =	vld.idx.msk [tilespmem:v31+s29+$0x0], $0xffff  }
0x88: {  	v32 =	vor.u32 v1, v16;
	_ =	sdelay $0x1  }
0x89: {  	[tilespmem:v8+s0+$0x30 ss:$0x1] =	vst.idx.msk $0xffff, v27;
	s2 =	sand.u32 $0x380, s2  }
0x8a: {  	[tilespmem:v8+s7+$0x60 ss:$0x1] =	vst.idx.msk $0xffff, v28;
	s2 =	sor.u32 s2, s16  }
0x8b: {  	[tilespmem:v8+s2+$0x0 ss:$0x1] =	vst.idx.msk $0xffff, v31  }
0x8c: {  	[tilespmem:s31+$0x30] =	vst v20;
	v53 =	vld.idx.msk [tilespmem:v32+s29+$0x0], $0xffff  }
0x8d: {  	v54 =	vld.idx.msk [tilespmem:v30+s29+$0x0], $0xffff;
	v55 =	vor.u32 v2, v16;
	[tilespmem:v8+s11+$0x30 ss:$0x1] =	vst.idx.msk $0xffff, v26  }
0x8e: {  	v56 =	vor.u32 v3, v14;
	v18 =	vld.idx.msk [tilespmem:v18+s29+$0x0], $0xffff;
	[tilespmem:v8+s8+$0x70 ss:$0x1] =	vst.idx.msk $0xffff, v25  }
0x8f: {  	v57 =	vor.u32 v6, v11;
	v23 =	vld.idx.msk [tilespmem:v23+s29+$0x0], $0xffff;
	[tilespmem:v8+s1+$0x50 ss:$0x1] =	vst.idx.msk $0xffff, v22  }
0x90: {  	v58 =	vor.u32 v3, v13;
	v29 =	vld.idx.msk [tilespmem:v29+s29+$0x0], $0xffff;
	[tilespmem:v8+s13+$0x20 ss:$0x1] =	vst.idx.msk $0xffff, v24  }
0x91: {  	v59 =	vor.u32 v3, v15;
	v17 =	vld.idx.msk [tilespmem:v17+s29+$0x0], $0xffff;
	[tilespmem:v8+s2+$0x10 ss:$0x1] =	vst.idx.msk $0xffff, v53  }
0x92: {  	[tilespmem:s12+$0xFFFFFFE0] =	vst v54;
	v25 =	vld.idx.msk [tilespmem:v55+s29+$0x0], $0xffff  }
0x93: {  	v61 =	vor.u32 v3, v16;
	v60 =	vld.idx.msk [tilespmem:v56+s29+$0x0], $0xffff;
	[tilespmem:v8+s15+$0x20 ss:$0x1] =	vst.idx.msk $0xffff, v18  }
0x94: {  	v63 =	vor.u32 v5, v10;
	v20 =	vld.idx.msk [tilespmem:v57+s29+$0x0], $0xffff;
	[tilespmem:v8+s7+$0x70 ss:$0x1] =	vst.idx.msk $0xffff, v23  }
0x95: {  	v36 =	vor.u32 v5, v12;
	[tilespmem:v8+s0+$0x40 ss:$0x1] =	vst.idx.msk $0xffff, v29;
	v24 =	vld.idx.msk [tilespmem:v58+s29+$0x0], $0xffff  }
0x96: {  	v62 =	vor.u32 v4, v14;
	v31 =	vld.idx.msk [tilespmem:v59+s29+$0x0], $0xffff;
	[tilespmem:v8+s11+$0x40 ss:$0x1] =	vst.idx.msk $0xffff, v17  }
0x97: {  	v33 =	vor.u32 v4, v15;
	v32 =	vld.idx.msk [tilespmem:v21+s29+$0x0], $0xffff;
	[tilespmem:v8+s2+$0x20 ss:$0x1] =	vst.idx.msk $0xffff, v25  }
0x98: {  	v34 =	vor.u32 v4, v13;
	[tilespmem:v8+s13+$0x30 ss:$0x1] =	vst.idx.msk $0xffff, v60;
	v23 =	vld.idx.msk [tilespmem:v61+s29+$0x0], $0xffff  }
0x99: {  	v37 =	vld.idx.msk [tilespmem:v63+s29+$0x0], $0xffff;
	[tilespmem:v8+s1+$0x60 ss:$0x1] =	vst.idx.msk $0xffff, v20  }
0x9a: {  	v30 =	vor.u32 v7, v11;
	v20 =	vld.idx.msk [tilespmem:v36+s29+$0x0], $0xffff;
	[tilespmem:s12+$0xFFFFFFF0] =	vst v24  }
0x9b: {  	v9 =	vor.u32 v7, v9;
	v35 =	vld.idx.msk [tilespmem:v62+s29+$0x0], $0xffff;
	[tilespmem:v8+s15+$0x30 ss:$0x1] =	vst.idx.msk $0xffff, v31  }
0x9c: {  	v39 =	vor.u32 v5, v14;
	[tilespmem:s30+$0x20] =	vst v32;
	v40 =	vld.idx.msk [tilespmem:v33+s29+$0x0], $0xffff  }
0x9d: {  	v42 =	vor.u32 v5, v15;
	v41 =	vld.idx.msk [tilespmem:v34+s29+$0x0], $0xffff;
	[tilespmem:v8+s2+$0x30 ss:$0x1] =	vst.idx.msk $0xffff, v23  }
0x9e: {  	v43 =	vor.u32 v5, v13;
	[tilespmem:v8+s0+$0x50 ss:$0x1] =	vst.idx.msk $0xffff, v37;
	v19 =	vld.idx.msk [tilespmem:v19+s29+$0x0], $0xffff  }
0x9f: {  	v44 =	vor.u32 v5, v16;
	v11 =	vld.idx.msk [tilespmem:v30+s29+$0x0], $0xffff;
	[tilespmem:v8+s11+$0x50 ss:$0x1] =	vst.idx.msk $0xffff, v20  }
0xa0: {  	v38 =	vor.u32 v6, v10;
	v9 =	vld.idx.msk [tilespmem:v9+s29+$0x0], $0xffff;
	[tilespmem:v8+s13+$0x40 ss:$0x1] =	vst.idx.msk $0xffff, v35  }
0xa1: {  	v45 =	vor.u32 v6, v12;
	v17 =	vld.idx.msk [tilespmem:v39+s29+$0x0], $0xffff;
	[tilespmem:v8+s15+$0x40 ss:$0x1] =	vst.idx.msk $0xffff, v40  }
0xa2: {  	v48 =	vor.u32 v6, v14;
	[tilespmem:s12+$0x0] =	vst v41;
	v49 =	vld.idx.msk [tilespmem:v42+s29+$0x0], $0xffff  }
0xa3: {  	v51 =	vor.u32 v6, v15;
	v50 =	vld.idx.msk [tilespmem:v43+s29+$0x0], $0xffff;
	[tilespmem:v8+s2+$0x40 ss:$0x1] =	vst.idx.msk $0xffff, v19  }
0xa4: {  	v52 =	vor.u32 v6, v13;
	[tilespmem:v8+s1+$0x70 ss:$0x1] =	vst.idx.msk $0xffff, v11;
	v53 =	vld.idx.msk [tilespmem:v44+s29+$0x0], $0xffff  }
0xa5: {  	v54 =	vor.u32 v6, v16;
	v46 =	vld.idx.msk [tilespmem:v38+s29+$0x0], $0xffff;
	[tilespmem:s30+$0x30] =	vst v9  }
0xa6: {  	v47 =	vor.u32 v7, v10;
	v11 =	vld.idx.msk [tilespmem:v45+s29+$0x0], $0xffff;
	[tilespmem:v8+s13+$0x50 ss:$0x1] =	vst.idx.msk $0xffff, v17  }
0xa7: {  	v55 =	vor.u32 v7, v12;
	v17 =	vld.idx.msk [tilespmem:v48+s29+$0x0], $0xffff;
	[tilespmem:v8+s15+$0x50 ss:$0x1] =	vst.idx.msk $0xffff, v49  }
0xa8: {  	v56 =	vor.u32 v7, v14;
	[tilespmem:s12+$0x10] =	vst v50;
	v57 =	vld.idx.msk [tilespmem:v51+s29+$0x0], $0xffff  }
0xa9: {  	v59 =	vor.u32 v7, v15;
	v58 =	vld.idx.msk [tilespmem:v52+s29+$0x0], $0xffff;
	[tilespmem:v8+s2+$0x50 ss:$0x1] =	vst.idx.msk $0xffff, v53  }
0xaa: {  	v60 =	vor.u32 v7, v13;
	[tilespmem:v8+s0+$0x60 ss:$0x1] =	vst.idx.msk $0xffff, v46;
	v61 =	vld.idx.msk [tilespmem:v54+s29+$0x0], $0xffff  }
0xab: {  	v62 =	vor.u32 v7, v16;
	v10 =	vld.idx.msk [tilespmem:v47+s29+$0x0], $0xffff;
	[tilespmem:v8+s11+$0x60 ss:$0x1] =	vst.idx.msk $0xffff, v11  }
0xac: {  	v12 =	vld.idx.msk [tilespmem:v55+s29+$0x0], $0xffff;
	[tilespmem:v8+s13+$0x60 ss:$0x1] =	vst.idx.msk $0xffff, v17  }
0xad: {  	v14 =	vld.idx.msk [tilespmem:v56+s29+$0x0], $0xffff;
	[tilespmem:v8+s15+$0x60 ss:$0x1] =	vst.idx.msk $0xffff, v57  }
0xae: {  	[tilespmem:s12+$0x20] =	vst v58;
	v15 =	vld.idx.msk [tilespmem:v59+s29+$0x0], $0xffff  }
0xaf: {  	v11 =	vld.idx.msk [tilespmem:v60+s29+$0x0], $0xffff;
	[tilespmem:v8+s2+$0x60 ss:$0x1] =	vst.idx.msk $0xffff, v61  }
0xb0: {  	[tilespmem:v8+s0+$0x70 ss:$0x1] =	vst.idx.msk $0xffff, v10;
	v63 =	vld.idx.msk [tilespmem:v62+s29+$0x0], $0xffff  }
0xb1: {  	[tilespmem:v8+s11+$0x70 ss:$0x1] =	vst.idx.msk $0xffff, v12  }
0xb2: {  	s19 =	sshll.u32 s25, $0xE;
	[tilespmem:v8+s13+$0x70 ss:$0x1] =	vst.idx.msk $0xffff, v14  }
0xb3: {  	s30 =	sshll.u32 s25, $0x7;
	s0 =	sand.u32 $0x1F0000, s19;
	[tilespmem:v8+s15+$0x70 ss:$0x1] =	vst.idx.msk $0xffff, v15  }
0xb4: {  	s1 =	sand.u32 $0x180, s30;
	s0 =	sadd.s32 s0, s5;
	[tilespmem:s12+$0x30] =	vst v11  }
0xb5: {  	s31 =	sadd.s32 $0x5, s28;
	p0 =	sgt.u32 s25, $0x63;
	s0 =	sadd.s32 s1, s0;
	[tilespmem:v8+s2+$0x70 ss:$0x1] =	vst.idx.msk $0xffff, v63  }
0xb6: {  	[hbm4b:s0+s17] =	stream.strided.scatter [tilespmem:s14], [sflag:s31], $0x1000, s18, s17, $0x38;
	[tilespmem:$0xB400] =	vst v63  }
0xb7: {  	s0 =	sshll.u32 @!p0 s25, $0x9  }
0xb8: {  	s0 =	sadd.s32 @!p0 $0x800, s0  }
0xb9: {  	s0 =	sand.u32 @!p0 $0x1F800, s0  }
0xba: {  	s0 =	sshrl.u32 @!p0 s0, $0x2  }
0xbb: {  	s25 =	sadd.s32 $0x1, s25;
	s0 =	sor.u32 @!p0 s1, s0;
	s1 =	simm.s32 @!p0 $0x80  }
0xbc: {  	[tilespmem:s29], [sflag:s26] =	stream.indirect.gather @!p0 [hbm4b:s3+s1], $0x20, s0, s1, $0xb8;
	[tilespmem:$0xB400] =	vst v63  }
0xbd: {  	p0 =	sne.s32 s25, $0x68  }
.Ltmp1:
0xbe: {  	_ = 	snop;
	(pc) =	sbr.rel @p0 .LBB2_2-.Ltmp1, $2  }
0xbf: {  	_ =	sdelay $0x2  }
0xc0: {  	s24 =	sadd.s32 $0x1, s24  }
0xc1: {  	s0 =	simm.s32 $0x5  }
0xc2: {  	_ =	swait.ge [sflag:s0], $0x1000  }
0xc3: {  	[sflag:s0] =	ssyncset.done $0x0  }
0xc4: {  	[sflag:s0] =	ssyncadd.s32 $0xFFFFF000  }
0xc5: {  	_ =	swait.ge [sflag:s20], $0x1000  }
0xc6: {  	[sflag:s20] =	ssyncset.done $0x0  }
0xc7: {  	[sflag:s20] =	ssyncadd.s32 $0xFFFFF000  }
0xc8: {  	_ =	swait.ge [sflag:s21], $0x1000  }
0xc9: {  	[sflag:s21] =	ssyncset.done $0x0  }
0xca: {  	[sflag:s21] =	ssyncadd.s32 $0xFFFFF000  }
0xcb: {  	_ =	swait.ge [sflag:s22], $0x1000  }
0xcc: {  	s23 =	sadd.s32 $0x1, s23;
	s31 =	rddreg [dreg:$0x4]  }
0xcd: {  	p0 =	sne.s32 s23, s31  }
.Ltmp2:
0xce: {  	_ = 	snop;
	(pc) =	sbr.rel @p0 .LBB2_1-.Ltmp2, $3  }
0xcf: {  	_ =	sdelay $0x1  }
0xd0: {  	[sflag:s22] =	ssyncset.done $0x0  }
0xd1: {  	[sflag:s22] =	ssyncadd.s32 $0xFFFFF000  }
0xd2: {  	_ =	sfence.sel $0x180000  }
0xd3: {  	[bflag:$0x0] =	sbarrier.arrive $0xFFFF  }
0xd4: {  	_ =	strace $0x9000004A  }
0xd5: {  	s0 =	stileid.u32;
	[bflag:$0x2] =	sbarrier.arrive $0xFFFF  }
0xd6: {  	p0 =	sne.s32 s0, $0x0;
	s0 =	rddreg [dreg:$0x2]  }
0xd7: {  	s0 =	sadd.s32 @!p0 $0x100000, s0  }
0xd8: {  	[sflag:s0] =	ssyncadd.tile.s32 @!p0 $0x1;
	_ =	shalt  }
.Lfunc_end2:
_tile_overlayer_lowered:
.L_overlay_start_2:
0xd9: {  	(tag) =	ssettag $0x2  }
0xda: {  	s0 =	rddreg [dreg:$0x0];
	s2 =	stileid.u32  }
0xdb: {  	s1 =	rddreg [dreg:$0x1];
	p0 =	sne.s32 s2, $0x0  }
0xdc: {  	s3 =	rddreg [dreg:$0x2];
	[bflag:$0x3] =	sbarrier.arrive $0xFFFF;
	s2 =	simm.s32 @!p0 $0x1C09  }
0xdd: {  	[timem:s3], [sflag:s2] =	dma.local @!p0 [hbm:s0], s1  }
0xde: {  	s0 =	simm.s32 @!p0 $0x9  }
0xdf: {  	_ =	swait.ge @!p0 [sflag:s0], s1  }
0xe0: {  	s1 =	ssub.s32 @!p0 $0x0, s1;
	[sflag:s0] =	ssyncset.done @!p0 $0x0  }
0xe1: {  	[sflag:s0] =	ssyncadd.s32 @!p0 s1  }
0xe2: {  	[bflag:$0x3] =	sbarrier.arrive $0xFFFF  }
0xe3: {  	_ =	shalt  }

</sc_bundles>
